<compile_context>
chip_gen: v7x
topology: tpu7x:2x2x1
jax: 0.10.2.dev20260603
libtpu: 0.0.44.dev20260713+nightly
codegen_flags: <defaults>
</compile_context>

<pallas_src>
import functools

import jax
import jax.numpy as jnp
from jax import lax
from jax.experimental import pallas as pl
from jax.experimental.pallas import tpu as pltpu
from jax.experimental.pallas import tpu_sc as plsc

_NUM_CORES = 2
_NUM_SUBCORES = 16
_NW = _NUM_CORES * _NUM_SUBCORES
_L = 16


def _make_kernel(N, T, C, Q, G):
    assert N % (_NW * 2 * G) == 0 and C % _L == 0 and T % _L == 0
    e_per_w = N // _NW
    ng = e_per_w // G
    in_w = C * T
    out_w = C * Q
    qb_n = Q // _L

    mesh = plsc.VectorSubcoreMesh(core_axis_name="c", subcore_axis_name="s")

    @functools.partial(
        pl.kernel,
        out_type=jax.ShapeDtypeStruct((N, out_w), jnp.float32),
        mesh=mesh,
        compiler_params=pltpu.CompilerParams(needs_layout_passes=False),
        scratch_types=[
            pltpu.VMEM((T,), jnp.float32),
            pltpu.VMEM((Q,), jnp.float32),
            pltpu.VMEM((G, C, T), jnp.float32),
            pltpu.VMEM((G, C, T), jnp.float32),
            pltpu.VMEM((G, out_w), jnp.float32),
            pltpu.VMEM((G, out_w), jnp.float32),
            pltpu.SemaphoreType.DMA,
            pltpu.SemaphoreType.DMA,
            pltpu.SemaphoreType.DMA,
            pltpu.SemaphoreType.DMA,
        ],
    )
    def body(times_hbm, tq_hbm, obs_hbm, out_hbm,
             times_v, tq_v, in_v0, in_v1, out_v0, out_v1,
             si0, si1, so0, so1):
        wid = lax.axis_index("s") * _NUM_CORES + lax.axis_index("c")
        in_bufs = (in_v0, in_v1)
        out_bufs = (out_v0, out_v1)
        sin = (si0, si1)
        sout = (so0, so1)

        pltpu.sync_copy(times_hbm, times_v)
        pltpu.sync_copy(tq_hbm, tq_v)

        lvecs = []
        rvecs = []
        wvecs = []
        for qb in range(qb_n):
            tq = tq_v[pl.ds(qb * _L, _L)]

            def count_tb(tb, cnt):
                tvec = times_v[pl.ds(tb * _L, _L)]
                one = jnp.ones((_L,), jnp.int32)
                zero = jnp.zeros((_L,), jnp.int32)
                for lane in range(_L):
                    cnt = cnt + jnp.where(tvec[lane] < tq, one, zero)
                return cnt

            cnt = lax.fori_loop(0, T // _L, count_tb,
                                jnp.zeros((_L,), jnp.int32))
            right = jnp.minimum(cnt, T - 1)
            left = jnp.maximum(right - 1, 0)
            t_left = plsc.load_gather(times_v, [left])
            on_grid = (t_left == tq) & (left > 0)
            left = jnp.where(on_grid, left - 1, left)
            t_left = plsc.load_gather(times_v, [left])
            t_right = plsc.load_gather(times_v, [right])
            td = t_right - t_left
            td = jnp.where(td == 0.0, jnp.float32(1e-6), td)
            lvecs.append(left)
            rvecs.append(right)
            wvecs.append((tq - t_left) / td)

        e0_base = wid * e_per_w

        def start_in(gi, slot):
            e0 = e0_base + gi * G
            return pltpu.async_copy(
                obs_hbm.at[pl.ds(e0, G)], in_bufs[slot], sin[slot])

        def start_out(gi, slot):
            e0 = e0_base + gi * G
            return pltpu.async_copy(
                out_bufs[slot], out_hbm.at[pl.ds(e0, G)], sout[slot])

        def compute_group(slot):
            in_v = in_bufs[slot]
            out_v = out_bufs[slot]

            @plsc.parallel_loop(0, G * C, 1, unroll=8)
            def ec_body(i):
                e = i // C
                c = i % C
                erow = jnp.full((_L,), e, jnp.int32)
                crow = jnp.full((_L,), c, jnp.int32)
                for qb in range(qb_n):
                    xl = plsc.load_gather(in_v, [erow, crow, lvecs[qb]])
                    xr = plsc.load_gather(in_v, [erow, crow, rvecs[qb]])
                    res = xl + wvecs[qb] * (xr - xl)
                    o = pl.multiple_of(c * Q + qb * _L, _L)
                    out_v[e, pl.ds(o, _L)] = res

        start_in(0, 0).wait()

        def pair_body(p, _):
            gi = p * 2
            for b in range(2):
                g = gi + b
                nxt = g + 1

                @pl.when(nxt < ng)
                def _():
                    start_in(nxt, 1 - b)

                @pl.when(g >= 2)
                def _():
                    pltpu.make_async_copy(
                        out_bufs[b], out_hbm.at[pl.ds(0, G)], sout[b]).wait()

                compute_group(b)
                start_out(g, b)

                @pl.when(nxt < ng)
                def _():
                    pltpu.make_async_copy(
                        obs_hbm.at[pl.ds(0, G)], in_bufs[1 - b],
                        sin[1 - b]).wait()
            return 0

        lax.fori_loop(0, ng // 2, pair_body, 0)
        pltpu.make_async_copy(
            out_bufs[0], out_hbm.at[pl.ds(0, G)], sout[0]).wait()
        pltpu.make_async_copy(
            out_bufs[1], out_hbm.at[pl.ds(0, G)], sout[1]).wait()

    return body


def kernel(times, observations, t_query):
    B1, B2, T, C = observations.shape
    Q = t_query.shape[0]
    N = B1 * B2
    obs_ct = observations.transpose(0, 1, 3, 2).reshape(N, C, T)
    fn = _make_kernel(N, T, C, Q, G=8)
    out_cq = fn(times, t_query, obs_ct)
    out = out_cq.reshape(N, C, Q).transpose(0, 2, 1)
    return out.reshape(B1, B2, Q, C)

# --- scband reference (transcript-rebuilt; emitter-appended) ---
"""Pipeline reference for scband-linear-interpolator-2465311228274 (READ-ONLY COPY).

The authoritative reference and input builder live on the scoring server;
editing this copy changes nothing except your own understanding.
"""

import jax, jax.numpy as jnp
import numpy as np


def setup_inputs(seed: int = 0) -> dict:
    key = jax.random.key(seed)
    k1, k2 = jax.random.split(key)
    T = 128
    times = jnp.arange(T, dtype=jnp.float32)
    observations = jax.random.normal(k1, (4, 2048, T, 32), dtype=jnp.float32)
    # query times uniformly in [0, T-1] so they are always in range of `times`
    t_query = jax.random.uniform(k2, (64,), minval=0.0, maxval=float(T - 1), dtype=jnp.float32)
    return {"times": times, "observations": observations, "t_query": t_query}


def reference(times, observations, t_query):
    # right_indices = searchsorted(times, t_query).clamp(max=len(times)-1)
    right_indices = jnp.minimum(jnp.searchsorted(times, t_query), times.shape[0] - 1)
    # left_indices = (right_indices - 1).clamp(min=0)
    left_indices = jnp.maximum(right_indices - 1, 0)
    # handle exact on-grid queries: shift left index one step further left
    is_on_grid = (times[left_indices] == t_query) & (left_indices > 0)
    left_indices = jnp.where(is_on_grid, left_indices - 1, left_indices)
    t_left = times[left_indices]
    t_right = times[right_indices]
    obs_left = observations[:, :, left_indices, :]
    obs_right = observations[:, :, right_indices, :]
    time_diff = t_right - t_left
    time_diff = jnp.where(time_diff == 0, 1e-06, time_diff)
    weight = (t_query - t_left) / time_diff
    # t_query.dim() > 0 branch
    weight = weight.reshape(1, 1, -1, 1)
    interpolated_obs = obs_left + weight * (obs_right - obs_left)
    return interpolated_obs

if __name__ == "__main__":
    import jax
    _d = setup_inputs()
    print(jax.jit(kernel)(*tuple(_d.values())))

</pallas_src>

<mosaic_0001>
#map = affine_map<(d0, d1) -> (0)>
#map1 = affine_map<(d0, d1) -> (0, 0, 0)>
#map2 = affine_map<(d0, d1) -> (0, 0)>
module attributes {stable_mosaic.version = 14 : i64} {
  func.func @body(%arg0: i32, %arg1: i32, %arg2: memref<128xf32, #tpu.memory_space<hbm>>, %arg3: memref<64xf32, #tpu.memory_space<hbm>>, %arg4: memref<8192x32x128xf32, #tpu.memory_space<hbm>>, %arg5: memref<8192x2048xf32, #tpu.memory_space<hbm>>, %arg6: memref<128xf32, #tpu.memory_space<vmem>>, %arg7: memref<64xf32, #tpu.memory_space<vmem>>, %arg8: memref<8x32x128xf32, #tpu.memory_space<vmem>>, %arg9: memref<8x32x128xf32, #tpu.memory_space<vmem>>, %arg10: memref<8x2048xf32, #tpu.memory_space<vmem>>, %arg11: memref<8x2048xf32, #tpu.memory_space<vmem>>, %arg12: memref<!tpu.dma_semaphore, #tpu.memory_space<semaphore_mem>>, %arg13: memref<!tpu.dma_semaphore, #tpu.memory_space<semaphore_mem>>, %arg14: memref<!tpu.dma_semaphore, #tpu.memory_space<semaphore_mem>>, %arg15: memref<!tpu.dma_semaphore, #tpu.memory_space<semaphore_mem>>) attributes {dimension_semantics = [#tpu.dimension_semantics<core_parallel>, #tpu.dimension_semantics<subcore_parallel>], iteration_bounds = array<i64: 2, 16>, scalar_prefetch = 0 : i64, scratch_operands = 10 : i64, tpu.core_type = #tpu.core_type<sc_vector_subcore>, window_params = [{transform_indices = #map}, {transform_indices = #map}, {transform_indices = #map1}, {transform_indices = #map2}]} {
    %mul3A = arith.constant 2 : i32
    %mul3A_0 = arith.muli %arg1, %mul3A : i32
    %add3A = arith.addi %mul3A_0, %arg0 : i32
    "tpu.region"() ({
      %run_scoped3A = tpu.sem_alloc : memref<!tpu.dma_semaphore, #tpu.memory_space<semaphore_mem>>
      tpu.enqueue_dma source(%arg2 : memref<128xf32, #tpu.memory_space<hbm>>) target(%arg6 : memref<128xf32, #tpu.memory_space<vmem>>) target_semaphore(%run_scoped3A : memref<!tpu.dma_semaphore, #tpu.memory_space<semaphore_mem>>)
      tpu.wait_dma2 semaphore(%run_scoped3A : memref<!tpu.dma_semaphore, #tpu.memory_space<semaphore_mem>>) src(%arg2 : memref<128xf32, #tpu.memory_space<hbm>>) dst(%arg6 : memref<128xf32, #tpu.memory_space<vmem>>)
      tpu.yield
    }) : () -> ()
    "tpu.region"() ({
      %run_scoped3A = tpu.sem_alloc : memref<!tpu.dma_semaphore, #tpu.memory_space<semaphore_mem>>
      tpu.enqueue_dma source(%arg3 : memref<64xf32, #tpu.memory_space<hbm>>) target(%arg7 : memref<64xf32, #tpu.memory_space<vmem>>) target_semaphore(%run_scoped3A : memref<!tpu.dma_semaphore, #tpu.memory_space<semaphore_mem>>)
      tpu.wait_dma2 semaphore(%run_scoped3A : memref<!tpu.dma_semaphore, #tpu.memory_space<semaphore_mem>>) src(%arg3 : memref<64xf32, #tpu.memory_space<hbm>>) dst(%arg7 : memref<64xf32, #tpu.memory_space<vmem>>)
      tpu.yield
    }) : () -> ()
    %get3A = arith.constant 0 : index
    %get3A_1 = tpu.vector_load %arg7[%get3A] {strides = array<i32>} : memref<64xf32, #tpu.memory_space<vmem>>, vector<16xf32>,
    %broadcast_in_dim3A = arith.constant 0 : i32
    %broadcast_in_dim3A_2 = vector.broadcast %broadcast_in_dim3A : i32 to vector<16xi32>
    %scan3A = arith.constant 0 : i32
    %scan3A_3 = arith.constant 8 : i32
    %scan3A_4 = arith.addi %scan3A, %scan3A_3 : i32
    %scan3A_5 = arith.constant 1 : i32
    %scan3A_6 = scf.for %scan3A_181 = %scan3A to %scan3A_4 step %scan3A_5 iter_args(%scan3A_182 = %broadcast_in_dim3A_2) -> (vector<16xi32>)  : i32 {
      %mul3A_183 = arith.constant 16 : i32
      %mul3A_184 = arith.muli %scan3A_181, %mul3A_183 : i32
      %get3A_185 = arith.index_cast %mul3A_184 : i32 to index
      %get3A_186 = tpu.vector_load %arg6[%get3A_185] {strides = array<i32>} : memref<128xf32, #tpu.memory_space<vmem>>, vector<16xf32>,
      %broadcast_in_dim3A_187 = arith.constant 1 : i32
      %broadcast_in_dim3A_188 = vector.broadcast %broadcast_in_dim3A_187 : i32 to vector<16xi32>
      %broadcast_in_dim3A_189 = arith.constant 0 : i32
      %broadcast_in_dim3A_190 = vector.broadcast %broadcast_in_dim3A_189 : i32 to vector<16xi32>
      %slice3A = vector.extract_strided_slice %get3A_186 {offsets = [0], sizes = [1], strides = [1]} : vector<16xf32> to vector<1xf32>
      %squeeze3A = vector.extract %slice3A[0] : f32 from vector<1xf32>
      %lt3A = vector.broadcast %squeeze3A : f32 to vector<16xf32>
      %lt3A_191 = arith.cmpf olt, %lt3A, %get3A_1 : vector<16xf32>
      %select_n3A_192 = arith.select %lt3A_191, %broadcast_in_dim3A_188, %broadcast_in_dim3A_190 : vector<16xi1>, vector<16xi32>
      %add3A_193 = arith.addi %scan3A_182, %select_n3A_192 : vector<16xi32>
      %slice3A_194 = vector.extract_strided_slice %get3A_186 {offsets = [1], sizes = [1], strides = [1]} : vector<16xf32> to vector<1xf32>
      %squeeze3A_195 = vector.extract %slice3A_194[0] : f32 from vector<1xf32>
      %lt3A_196 = vector.broadcast %squeeze3A_195 : f32 to vector<16xf32>
      %lt3A_197 = arith.cmpf olt, %lt3A_196, %get3A_1 : vector<16xf32>
      %select_n3A_198 = arith.select %lt3A_197, %broadcast_in_dim3A_188, %broadcast_in_dim3A_190 : vector<16xi1>, vector<16xi32>
      %add3A_199 = arith.addi %add3A_193, %select_n3A_198 : vector<16xi32>
      %slice3A_200 = vector.extract_strided_slice %get3A_186 {offsets = [2], sizes = [1], strides = [1]} : vector<16xf32> to vector<1xf32>
      %squeeze3A_201 = vector.extract %slice3A_200[0] : f32 from vector<1xf32>
      %lt3A_202 = vector.broadcast %squeeze3A_201 : f32 to vector<16xf32>
      %lt3A_203 = arith.cmpf olt, %lt3A_202, %get3A_1 : vector<16xf32>
      %select_n3A_204 = arith.select %lt3A_203, %broadcast_in_dim3A_188, %broadcast_in_dim3A_190 : vector<16xi1>, vector<16xi32>
      %add3A_205 = arith.addi %add3A_199, %select_n3A_204 : vector<16xi32>
      %slice3A_206 = vector.extract_strided_slice %get3A_186 {offsets = [3], sizes = [1], strides = [1]} : vector<16xf32> to vector<1xf32>
      %squeeze3A_207 = vector.extract %slice3A_206[0] : f32 from vector<1xf32>
      %lt3A_208 = vector.broadcast %squeeze3A_207 : f32 to vector<16xf32>
      %lt3A_209 = arith.cmpf olt, %lt3A_208, %get3A_1 : vector<16xf32>
      %select_n3A_210 = arith.select %lt3A_209, %broadcast_in_dim3A_188, %broadcast_in_dim3A_190 : vector<16xi1>, vector<16xi32>
      %add3A_211 = arith.addi %add3A_205, %select_n3A_210 : vector<16xi32>
      %slice3A_212 = vector.extract_strided_slice %get3A_186 {offsets = [4], sizes = [1], strides = [1]} : vector<16xf32> to vector<1xf32>
      %squeeze3A_213 = vector.extract %slice3A_212[0] : f32 from vector<1xf32>
      %lt3A_214 = vector.broadcast %squeeze3A_213 : f32 to vector<16xf32>
      %lt3A_215 = arith.cmpf olt, %lt3A_214, %get3A_1 : vector<16xf32>
      %select_n3A_216 = arith.select %lt3A_215, %broadcast_in_dim3A_188, %broadcast_in_dim3A_190 : vector<16xi1>, vector<16xi32>
      %add3A_217 = arith.addi %add3A_211, %select_n3A_216 : vector<16xi32>
      %slice3A_218 = vector.extract_strided_slice %get3A_186 {offsets = [5], sizes = [1], strides = [1]} : vector<16xf32> to vector<1xf32>
      %squeeze3A_219 = vector.extract %slice3A_218[0] : f32 from vector<1xf32>
      %lt3A_220 = vector.broadcast %squeeze3A_219 : f32 to vector<16xf32>
      %lt3A_221 = arith.cmpf olt, %lt3A_220, %get3A_1 : vector<16xf32>
      %select_n3A_222 = arith.select %lt3A_221, %broadcast_in_dim3A_188, %broadcast_in_dim3A_190 : vector<16xi1>, vector<16xi32>
      %add3A_223 = arith.addi %add3A_217, %select_n3A_222 : vector<16xi32>
      %slice3A_224 = vector.extract_strided_slice %get3A_186 {offsets = [6], sizes = [1], strides = [1]} : vector<16xf32> to vector<1xf32>
      %squeeze3A_225 = vector.extract %slice3A_224[0] : f32 from vector<1xf32>
      %lt3A_226 = vector.broadcast %squeeze3A_225 : f32 to vector<16xf32>
      %lt3A_227 = arith.cmpf olt, %lt3A_226, %get3A_1 : vector<16xf32>
      %select_n3A_228 = arith.select %lt3A_227, %broadcast_in_dim3A_188, %broadcast_in_dim3A_190 : vector<16xi1>, vector<16xi32>
      %add3A_229 = arith.addi %add3A_223, %select_n3A_228 : vector<16xi32>
      %slice3A_230 = vector.extract_strided_slice %get3A_186 {offsets = [7], sizes = [1], strides = [1]} : vector<16xf32> to vector<1xf32>
      %squeeze3A_231 = vector.extract %slice3A_230[0] : f32 from vector<1xf32>
      %lt3A_232 = vector.broadcast %squeeze3A_231 : f32 to vector<16xf32>
      %lt3A_233 = arith.cmpf olt, %lt3A_232, %get3A_1 : vector<16xf32>
      %select_n3A_234 = arith.select %lt3A_233, %broadcast_in_dim3A_188, %broadcast_in_dim3A_190 : vector<16xi1>, vector<16xi32>
      %add3A_235 = arith.addi %add3A_229, %select_n3A_234 : vector<16xi32>
      %slice3A_236 = vector.extract_strided_slice %get3A_186 {offsets = [8], sizes = [1], strides = [1]} : vector<16xf32> to vector<1xf32>
      %squeeze3A_237 = vector.extract %slice3A_236[0] : f32 from vector<1xf32>
      %lt3A_238 = vector.broadcast %squeeze3A_237 : f32 to vector<16xf32>
      %lt3A_239 = arith.cmpf olt, %lt3A_238, %get3A_1 : vector<16xf32>
      %select_n3A_240 = arith.select %lt3A_239, %broadcast_in_dim3A_188, %broadcast_in_dim3A_190 : vector<16xi1>, vector<16xi32>
      %add3A_241 = arith.addi %add3A_235, %select_n3A_240 : vector<16xi32>
      %slice3A_242 = vector.extract_strided_slice %get3A_186 {offsets = [9], sizes = [1], strides = [1]} : vector<16xf32> to vector<1xf32>
      %squeeze3A_243 = vector.extract %slice3A_242[0] : f32 from vector<1xf32>
      %lt3A_244 = vector.broadcast %squeeze3A_243 : f32 to vector<16xf32>
      %lt3A_245 = arith.cmpf olt, %lt3A_244, %get3A_1 : vector<16xf32>
      %select_n3A_246 = arith.select %lt3A_245, %broadcast_in_dim3A_188, %broadcast_in_dim3A_190 : vector<16xi1>, vector<16xi32>
      %add3A_247 = arith.addi %add3A_241, %select_n3A_246 : vector<16xi32>
      %slice3A_248 = vector.extract_strided_slice %get3A_186 {offsets = [10], sizes = [1], strides = [1]} : vector<16xf32> to vector<1xf32>
      %squeeze3A_249 = vector.extract %slice3A_248[0] : f32 from vector<1xf32>
      %lt3A_250 = vector.broadcast %squeeze3A_249 : f32 to vector<16xf32>
      %lt3A_251 = arith.cmpf olt, %lt3A_250, %get3A_1 : vector<16xf32>
      %select_n3A_252 = arith.select %lt3A_251, %broadcast_in_dim3A_188, %broadcast_in_dim3A_190 : vector<16xi1>, vector<16xi32>
      %add3A_253 = arith.addi %add3A_247, %select_n3A_252 : vector<16xi32>
      %slice3A_254 = vector.extract_strided_slice %get3A_186 {offsets = [11], sizes = [1], strides = [1]} : vector<16xf32> to vector<1xf32>
      %squeeze3A_255 = vector.extract %slice3A_254[0] : f32 from vector<1xf32>
      %lt3A_256 = vector.broadcast %squeeze3A_255 : f32 to vector<16xf32>
      %lt3A_257 = arith.cmpf olt, %lt3A_256, %get3A_1 : vector<16xf32>
      %select_n3A_258 = arith.select %lt3A_257, %broadcast_in_dim3A_188, %broadcast_in_dim3A_190 : vector<16xi1>, vector<16xi32>
      %add3A_259 = arith.addi %add3A_253, %select_n3A_258 : vector<16xi32>
      %slice3A_260 = vector.extract_strided_slice %get3A_186 {offsets = [12], sizes = [1], strides = [1]} : vector<16xf32> to vector<1xf32>
      %squeeze3A_261 = vector.extract %slice3A_260[0] : f32 from vector<1xf32>
      %lt3A_262 = vector.broadcast %squeeze3A_261 : f32 to vector<16xf32>
      %lt3A_263 = arith.cmpf olt, %lt3A_262, %get3A_1 : vector<16xf32>
      %select_n3A_264 = arith.select %lt3A_263, %broadcast_in_dim3A_188, %broadcast_in_dim3A_190 : vector<16xi1>, vector<16xi32>
      %add3A_265 = arith.addi %add3A_259, %select_n3A_264 : vector<16xi32>
      %slice3A_266 = vector.extract_strided_slice %get3A_186 {offsets = [13], sizes = [1], strides = [1]} : vector<16xf32> to vector<1xf32>
      %squeeze3A_267 = vector.extract %slice3A_266[0] : f32 from vector<1xf32>
      %lt3A_268 = vector.broadcast %squeeze3A_267 : f32 to vector<16xf32>
      %lt3A_269 = arith.cmpf olt, %lt3A_268, %get3A_1 : vector<16xf32>
      %select_n3A_270 = arith.select %lt3A_269, %broadcast_in_dim3A_188, %broadcast_in_dim3A_190 : vector<16xi1>, vector<16xi32>
      %add3A_271 = arith.addi %add3A_265, %select_n3A_270 : vector<16xi32>
      %slice3A_272 = vector.extract_strided_slice %get3A_186 {offsets = [14], sizes = [1], strides = [1]} : vector<16xf32> to vector<1xf32>
      %squeeze3A_273 = vector.extract %slice3A_272[0] : f32 from vector<1xf32>
      %lt3A_274 = vector.broadcast %squeeze3A_273 : f32 to vector<16xf32>
      %lt3A_275 = arith.cmpf olt, %lt3A_274, %get3A_1 : vector<16xf32>
      %select_n3A_276 = arith.select %lt3A_275, %broadcast_in_dim3A_188, %broadcast_in_dim3A_190 : vector<16xi1>, vector<16xi32>
      %add3A_277 = arith.addi %add3A_271, %select_n3A_276 : vector<16xi32>
      %slice3A_278 = vector.extract_strided_slice %get3A_186 {offsets = [15], sizes = [1], strides = [1]} : vector<16xf32> to vector<1xf32>
      %squeeze3A_279 = vector.extract %slice3A_278[0] : f32 from vector<1xf32>
      %lt3A_280 = vector.broadcast %squeeze3A_279 : f32 to vector<16xf32>
      %lt3A_281 = arith.cmpf olt, %lt3A_280, %get3A_1 : vector<16xf32>
      %select_n3A_282 = arith.select %lt3A_281, %broadcast_in_dim3A_188, %broadcast_in_dim3A_190 : vector<16xi1>, vector<16xi32>
      %add3A_283 = arith.addi %add3A_277, %select_n3A_282 : vector<16xi32>
      scf.yield %add3A_283 : vector<16xi32>
    }
    %scan3A_7 = arith.constant 8 : i32
    %min3A = arith.constant 127 : i32
    %min3A_8 = vector.broadcast %min3A : i32 to vector<16xi32>
    %min3A_9 = arith.minsi %scan3A_6, %min3A_8 : vector<16xi32>
    %sub3A = arith.constant 1 : i32
    %sub3A_10 = vector.broadcast %sub3A : i32 to vector<16xi32>
    %sub3A_11 = arith.subi %min3A_9, %sub3A_10 : vector<16xi32>
    %max3A = arith.constant 0 : i32
    %max3A_12 = vector.broadcast %max3A : i32 to vector<16xi32>
    %max3A_13 = arith.maxsi %sub3A_11, %max3A_12 : vector<16xi32>
    %gather3A = tpu.vector_load_idx %arg6[%max3A_13] : memref<128xf32, #tpu.memory_space<vmem>>[vector<16xi32>], vector<16xf32>,
    %eq3A = arith.cmpf oeq, %gather3A, %get3A_1 : vector<16xf32>
    %gt3A = arith.constant 0 : i32
    %gt3A_14 = vector.broadcast %gt3A : i32 to vector<16xi32>
    %gt3A_15 = arith.cmpi sgt, %max3A_13, %gt3A_14 : vector<16xi32>
    %and3A = arith.andi %eq3A, %gt3A_15 : vector<16xi1>
    %sub3A_16 = arith.constant 1 : i32
    %sub3A_17 = vector.broadcast %sub3A_16 : i32 to vector<16xi32>
    %sub3A_18 = arith.subi %max3A_13, %sub3A_17 : vector<16xi32>
    %select_n3A = arith.select %and3A, %sub3A_18, %max3A_13 : vector<16xi1>, vector<16xi32>
    %gather3A_19 = tpu.vector_load_idx %arg6[%select_n3A] : memref<128xf32, #tpu.memory_space<vmem>>[vector<16xi32>], vector<16xf32>,
    %gather3A_20 = tpu.vector_load_idx %arg6[%min3A_9] : memref<128xf32, #tpu.memory_space<vmem>>[vector<16xi32>], vector<16xf32>,
    %sub3A_21 = arith.subf %gather3A_20, %gather3A_19 : vector<16xf32>
    %eq3A_22 = arith.constant 0.000000e+00 : f32
    %eq3A_23 = vector.broadcast %eq3A_22 : f32 to vector<16xf32>
    %eq3A_24 = arith.cmpf oeq, %sub3A_21, %eq3A_23 : vector<16xf32>
    %jit3A = arith.constant 9.99999997E-7 : f32
    %broadcast_in_dim3A_25 = vector.broadcast %jit3A : f32 to vector<16xf32>
    %select_n3A_26 = arith.select %eq3A_24, %broadcast_in_dim3A_25, %sub3A_21 : vector<16xi1>, vector<16xf32>
    %sub3A_27 = arith.subf %get3A_1, %gather3A_19 : vector<16xf32>
    %div3A = arith.divf %sub3A_27, %select_n3A_26 : vector<16xf32>
    %get3A_28 = arith.constant 16 : index
    %get3A_29 = tpu.vector_load %arg7[%get3A_28] {strides = array<i32>} : memref<64xf32, #tpu.memory_space<vmem>>, vector<16xf32>,
    %broadcast_in_dim3A_30 = arith.constant 0 : i32
    %broadcast_in_dim3A_31 = vector.broadcast %broadcast_in_dim3A_30 : i32 to vector<16xi32>
    %scan3A_32 = arith.constant 0 : i32
    %scan3A_33 = arith.constant 8 : i32
    %scan3A_34 = arith.addi %scan3A_32, %scan3A_33 : i32
    %scan3A_35 = arith.constant 1 : i32
    %scan3A_36 = scf.for %scan3A_181 = %scan3A_32 to %scan3A_34 step %scan3A_35 iter_args(%scan3A_182 = %broadcast_in_dim3A_31) -> (vector<16xi32>)  : i32 {
      %mul3A_183 = arith.constant 16 : i32
      %mul3A_184 = arith.muli %scan3A_181, %mul3A_183 : i32
      %get3A_185 = arith.index_cast %mul3A_184 : i32 to index
      %get3A_186 = tpu.vector_load %arg6[%get3A_185] {strides = array<i32>} : memref<128xf32, #tpu.memory_space<vmem>>, vector<16xf32>,
      %broadcast_in_dim3A_187 = arith.constant 1 : i32
      %broadcast_in_dim3A_188 = vector.broadcast %broadcast_in_dim3A_187 : i32 to vector<16xi32>
      %broadcast_in_dim3A_189 = arith.constant 0 : i32
      %broadcast_in_dim3A_190 = vector.broadcast %broadcast_in_dim3A_189 : i32 to vector<16xi32>
      %slice3A = vector.extract_strided_slice %get3A_186 {offsets = [0], sizes = [1], strides = [1]} : vector<16xf32> to vector<1xf32>
      %squeeze3A = vector.extract %slice3A[0] : f32 from vector<1xf32>
      %lt3A = vector.broadcast %squeeze3A : f32 to vector<16xf32>
      %lt3A_191 = arith.cmpf olt, %lt3A, %get3A_29 : vector<16xf32>
      %select_n3A_192 = arith.select %lt3A_191, %broadcast_in_dim3A_188, %broadcast_in_dim3A_190 : vector<16xi1>, vector<16xi32>
      %add3A_193 = arith.addi %scan3A_182, %select_n3A_192 : vector<16xi32>
      %slice3A_194 = vector.extract_strided_slice %get3A_186 {offsets = [1], sizes = [1], strides = [1]} : vector<16xf32> to vector<1xf32>
      %squeeze3A_195 = vector.extract %slice3A_194[0] : f32 from vector<1xf32>
      %lt3A_196 = vector.broadcast %squeeze3A_195 : f32 to vector<16xf32>
      %lt3A_197 = arith.cmpf olt, %lt3A_196, %get3A_29 : vector<16xf32>
      %select_n3A_198 = arith.select %lt3A_197, %broadcast_in_dim3A_188, %broadcast_in_dim3A_190 : vector<16xi1>, vector<16xi32>
      %add3A_199 = arith.addi %add3A_193, %select_n3A_198 : vector<16xi32>
      %slice3A_200 = vector.extract_strided_slice %get3A_186 {offsets = [2], sizes = [1], strides = [1]} : vector<16xf32> to vector<1xf32>
      %squeeze3A_201 = vector.extract %slice3A_200[0] : f32 from vector<1xf32>
      %lt3A_202 = vector.broadcast %squeeze3A_201 : f32 to vector<16xf32>
      %lt3A_203 = arith.cmpf olt, %lt3A_202, %get3A_29 : vector<16xf32>
      %select_n3A_204 = arith.select %lt3A_203, %broadcast_in_dim3A_188, %broadcast_in_dim3A_190 : vector<16xi1>, vector<16xi32>
      %add3A_205 = arith.addi %add3A_199, %select_n3A_204 : vector<16xi32>
      %slice3A_206 = vector.extract_strided_slice %get3A_186 {offsets = [3], sizes = [1], strides = [1]} : vector<16xf32> to vector<1xf32>
      %squeeze3A_207 = vector.extract %slice3A_206[0] : f32 from vector<1xf32>
      %lt3A_208 = vector.broadcast %squeeze3A_207 : f32 to vector<16xf32>
      %lt3A_209 = arith.cmpf olt, %lt3A_208, %get3A_29 : vector<16xf32>
      %select_n3A_210 = arith.select %lt3A_209, %broadcast_in_dim3A_188, %broadcast_in_dim3A_190 : vector<16xi1>, vector<16xi32>
      %add3A_211 = arith.addi %add3A_205, %select_n3A_210 : vector<16xi32>
      %slice3A_212 = vector.extract_strided_slice %get3A_186 {offsets = [4], sizes = [1], strides = [1]} : vector<16xf32> to vector<1xf32>
      %squeeze3A_213 = vector.extract %slice3A_212[0] : f32 from vector<1xf32>
      %lt3A_214 = vector.broadcast %squeeze3A_213 : f32 to vector<16xf32>
      %lt3A_215 = arith.cmpf olt, %lt3A_214, %get3A_29 : vector<16xf32>
      %select_n3A_216 = arith.select %lt3A_215, %broadcast_in_dim3A_188, %broadcast_in_dim3A_190 : vector<16xi1>, vector<16xi32>
      %add3A_217 = arith.addi %add3A_211, %select_n3A_216 : vector<16xi32>
      %slice3A_218 = vector.extract_strided_slice %get3A_186 {offsets = [5], sizes = [1], strides = [1]} : vector<16xf32> to vector<1xf32>
      %squeeze3A_219 = vector.extract %slice3A_218[0] : f32 from vector<1xf32>
      %lt3A_220 = vector.broadcast %squeeze3A_219 : f32 to vector<16xf32>
      %lt3A_221 = arith.cmpf olt, %lt3A_220, %get3A_29 : vector<16xf32>
      %select_n3A_222 = arith.select %lt3A_221, %broadcast_in_dim3A_188, %broadcast_in_dim3A_190 : vector<16xi1>, vector<16xi32>
      %add3A_223 = arith.addi %add3A_217, %select_n3A_222 : vector<16xi32>
      %slice3A_224 = vector.extract_strided_slice %get3A_186 {offsets = [6], sizes = [1], strides = [1]} : vector<16xf32> to vector<1xf32>
      %squeeze3A_225 = vector.extract %slice3A_224[0] : f32 from vector<1xf32>
      %lt3A_226 = vector.broadcast %squeeze3A_225 : f32 to vector<16xf32>
      %lt3A_227 = arith.cmpf olt, %lt3A_226, %get3A_29 : vector<16xf32>
      %select_n3A_228 = arith.select %lt3A_227, %broadcast_in_dim3A_188, %broadcast_in_dim3A_190 : vector<16xi1>, vector<16xi32>
      %add3A_229 = arith.addi %add3A_223, %select_n3A_228 : vector<16xi32>
      %slice3A_230 = vector.extract_strided_slice %get3A_186 {offsets = [7], sizes = [1], strides = [1]} : vector<16xf32> to vector<1xf32>
      %squeeze3A_231 = vector.extract %slice3A_230[0] : f32 from vector<1xf32>
      %lt3A_232 = vector.broadcast %squeeze3A_231 : f32 to vector<16xf32>
      %lt3A_233 = arith.cmpf olt, %lt3A_232, %get3A_29 : vector<16xf32>
      %select_n3A_234 = arith.select %lt3A_233, %broadcast_in_dim3A_188, %broadcast_in_dim3A_190 : vector<16xi1>, vector<16xi32>
      %add3A_235 = arith.addi %add3A_229, %select_n3A_234 : vector<16xi32>
      %slice3A_236 = vector.extract_strided_slice %get3A_186 {offsets = [8], sizes = [1], strides = [1]} : vector<16xf32> to vector<1xf32>
      %squeeze3A_237 = vector.extract %slice3A_236[0] : f32 from vector<1xf32>
      %lt3A_238 = vector.broadcast %squeeze3A_237 : f32 to vector<16xf32>
      %lt3A_239 = arith.cmpf olt, %lt3A_238, %get3A_29 : vector<16xf32>
      %select_n3A_240 = arith.select %lt3A_239, %broadcast_in_dim3A_188, %broadcast_in_dim3A_190 : vector<16xi1>, vector<16xi32>
      %add3A_241 = arith.addi %add3A_235, %select_n3A_240 : vector<16xi32>
      %slice3A_242 = vector.extract_strided_slice %get3A_186 {offsets = [9], sizes = [1], strides = [1]} : vector<16xf32> to vector<1xf32>
      %squeeze3A_243 = vector.extract %slice3A_242[0] : f32 from vector<1xf32>
      %lt3A_244 = vector.broadcast %squeeze3A_243 : f32 to vector<16xf32>
      %lt3A_245 = arith.cmpf olt, %lt3A_244, %get3A_29 : vector<16xf32>
      %select_n3A_246 = arith.select %lt3A_245, %broadcast_in_dim3A_188, %broadcast_in_dim3A_190 : vector<16xi1>, vector<16xi32>
      %add3A_247 = arith.addi %add3A_241, %select_n3A_246 : vector<16xi32>
      %slice3A_248 = vector.extract_strided_slice %get3A_186 {offsets = [10], sizes = [1], strides = [1]} : vector<16xf32> to vector<1xf32>
      %squeeze3A_249 = vector.extract %slice3A_248[0] : f32 from vector<1xf32>
      %lt3A_250 = vector.broadcast %squeeze3A_249 : f32 to vector<16xf32>
      %lt3A_251 = arith.cmpf olt, %lt3A_250, %get3A_29 : vector<16xf32>
      %select_n3A_252 = arith.select %lt3A_251, %broadcast_in_dim3A_188, %broadcast_in_dim3A_190 : vector<16xi1>, vector<16xi32>
      %add3A_253 = arith.addi %add3A_247, %select_n3A_252 : vector<16xi32>
      %slice3A_254 = vector.extract_strided_slice %get3A_186 {offsets = [11], sizes = [1], strides = [1]} : vector<16xf32> to vector<1xf32>
      %squeeze3A_255 = vector.extract %slice3A_254[0] : f32 from vector<1xf32>
      %lt3A_256 = vector.broadcast %squeeze3A_255 : f32 to vector<16xf32>
      %lt3A_257 = arith.cmpf olt, %lt3A_256, %get3A_29 : vector<16xf32>
      %select_n3A_258 = arith.select %lt3A_257, %broadcast_in_dim3A_188, %broadcast_in_dim3A_190 : vector<16xi1>, vector<16xi32>
      %add3A_259 = arith.addi %add3A_253, %select_n3A_258 : vector<16xi32>
      %slice3A_260 = vector.extract_strided_slice %get3A_186 {offsets = [12], sizes = [1], strides = [1]} : vector<16xf32> to vector<1xf32>
      %squeeze3A_261 = vector.extract %slice3A_260[0] : f32 from vector<1xf32>
      %lt3A_262 = vector.broadcast %squeeze3A_261 : f32 to vector<16xf32>
      %lt3A_263 = arith.cmpf olt, %lt3A_262, %get3A_29 : vector<16xf32>
      %select_n3A_264 = arith.select %lt3A_263, %broadcast_in_dim3A_188, %broadcast_in_dim3A_190 : vector<16xi1>, vector<16xi32>
      %add3A_265 = arith.addi %add3A_259, %select_n3A_264 : vector<16xi32>
      %slice3A_266 = vector.extract_strided_slice %get3A_186 {offsets = [13], sizes = [1], strides = [1]} : vector<16xf32> to vector<1xf32>
      %squeeze3A_267 = vector.extract %slice3A_266[0] : f32 from vector<1xf32>
      %lt3A_268 = vector.broadcast %squeeze3A_267 : f32 to vector<16xf32>
      %lt3A_269 = arith.cmpf olt, %lt3A_268, %get3A_29 : vector<16xf32>
      %select_n3A_270 = arith.select %lt3A_269, %broadcast_in_dim3A_188, %broadcast_in_dim3A_190 : vector<16xi1>, vector<16xi32>
      %add3A_271 = arith.addi %add3A_265, %select_n3A_270 : vector<16xi32>
      %slice3A_272 = vector.extract_strided_slice %get3A_186 {offsets = [14], sizes = [1], strides = [1]} : vector<16xf32> to vector<1xf32>
      %squeeze3A_273 = vector.extract %slice3A_272[0] : f32 from vector<1xf32>
      %lt3A_274 = vector.broadcast %squeeze3A_273 : f32 to vector<16xf32>
      %lt3A_275 = arith.cmpf olt, %lt3A_274, %get3A_29 : vector<16xf32>
      %select_n3A_276 = arith.select %lt3A_275, %broadcast_in_dim3A_188, %broadcast_in_dim3A_190 : vector<16xi1>, vector<16xi32>
      %add3A_277 = arith.addi %add3A_271, %select_n3A_276 : vector<16xi32>
      %slice3A_278 = vector.extract_strided_slice %get3A_186 {offsets = [15], sizes = [1], strides = [1]} : vector<16xf32> to vector<1xf32>
      %squeeze3A_279 = vector.extract %slice3A_278[0] : f32 from vector<1xf32>
      %lt3A_280 = vector.broadcast %squeeze3A_279 : f32 to vector<16xf32>
      %lt3A_281 = arith.cmpf olt, %lt3A_280, %get3A_29 : vector<16xf32>
      %select_n3A_282 = arith.select %lt3A_281, %broadcast_in_dim3A_188, %broadcast_in_dim3A_190 : vector<16xi1>, vector<16xi32>
      %add3A_283 = arith.addi %add3A_277, %select_n3A_282 : vector<16xi32>
      scf.yield %add3A_283 : vector<16xi32>
    }
    %scan3A_37 = arith.constant 8 : i32
    %min3A_38 = arith.constant 127 : i32
    %min3A_39 = vector.broadcast %min3A_38 : i32 to vector<16xi32>
    %min3A_40 = arith.minsi %scan3A_36, %min3A_39 : vector<16xi32>
    %sub3A_41 = arith.constant 1 : i32
    %sub3A_42 = vector.broadcast %sub3A_41 : i32 to vector<16xi32>
    %sub3A_43 = arith.subi %min3A_40, %sub3A_42 : vector<16xi32>
    %max3A_44 = arith.constant 0 : i32
    %max3A_45 = vector.broadcast %max3A_44 : i32 to vector<16xi32>
    %max3A_46 = arith.maxsi %sub3A_43, %max3A_45 : vector<16xi32>
    %gather3A_47 = tpu.vector_load_idx %arg6[%max3A_46] : memref<128xf32, #tpu.memory_space<vmem>>[vector<16xi32>], vector<16xf32>,
    %eq3A_48 = arith.cmpf oeq, %gather3A_47, %get3A_29 : vector<16xf32>
    %gt3A_49 = arith.constant 0 : i32
    %gt3A_50 = vector.broadcast %gt3A_49 : i32 to vector<16xi32>
    %gt3A_51 = arith.cmpi sgt, %max3A_46, %gt3A_50 : vector<16xi32>
    %and3A_52 = arith.andi %eq3A_48, %gt3A_51 : vector<16xi1>
    %sub3A_53 = arith.constant 1 : i32
    %sub3A_54 = vector.broadcast %sub3A_53 : i32 to vector<16xi32>
    %sub3A_55 = arith.subi %max3A_46, %sub3A_54 : vector<16xi32>
    %select_n3A_56 = arith.select %and3A_52, %sub3A_55, %max3A_46 : vector<16xi1>, vector<16xi32>
    %gather3A_57 = tpu.vector_load_idx %arg6[%select_n3A_56] : memref<128xf32, #tpu.memory_space<vmem>>[vector<16xi32>], vector<16xf32>,
    %gather3A_58 = tpu.vector_load_idx %arg6[%min3A_40] : memref<128xf32, #tpu.memory_space<vmem>>[vector<16xi32>], vector<16xf32>,
    %sub3A_59 = arith.subf %gather3A_58, %gather3A_57 : vector<16xf32>
    %eq3A_60 = arith.constant 0.000000e+00 : f32
    %eq3A_61 = vector.broadcast %eq3A_60 : f32 to vector<16xf32>
    %eq3A_62 = arith.cmpf oeq, %sub3A_59, %eq3A_61 : vector<16xf32>
    %jit3A_63 = arith.constant 9.99999997E-7 : f32
    %broadcast_in_dim3A_64 = vector.broadcast %jit3A_63 : f32 to vector<16xf32>
    %select_n3A_65 = arith.select %eq3A_62, %broadcast_in_dim3A_64, %sub3A_59 : vector<16xi1>, vector<16xf32>
    %sub3A_66 = arith.subf %get3A_29, %gather3A_57 : vector<16xf32>
    %div3A_67 = arith.divf %sub3A_66, %select_n3A_65 : vector<16xf32>
    %get3A_68 = arith.constant 32 : index
    %get3A_69 = tpu.vector_load %arg7[%get3A_68] {strides = array<i32>} : memref<64xf32, #tpu.memory_space<vmem>>, vector<16xf32>,
    %broadcast_in_dim3A_70 = arith.constant 0 : i32
    %broadcast_in_dim3A_71 = vector.broadcast %broadcast_in_dim3A_70 : i32 to vector<16xi32>
    %scan3A_72 = arith.constant 0 : i32
    %scan3A_73 = arith.constant 8 : i32
    %scan3A_74 = arith.addi %scan3A_72, %scan3A_73 : i32
    %scan3A_75 = arith.constant 1 : i32
    %scan3A_76 = scf.for %scan3A_181 = %scan3A_72 to %scan3A_74 step %scan3A_75 iter_args(%scan3A_182 = %broadcast_in_dim3A_71) -> (vector<16xi32>)  : i32 {
      %mul3A_183 = arith.constant 16 : i32
      %mul3A_184 = arith.muli %scan3A_181, %mul3A_183 : i32
      %get3A_185 = arith.index_cast %mul3A_184 : i32 to index
      %get3A_186 = tpu.vector_load %arg6[%get3A_185] {strides = array<i32>} : memref<128xf32, #tpu.memory_space<vmem>>, vector<16xf32>,
      %broadcast_in_dim3A_187 = arith.constant 1 : i32
      %broadcast_in_dim3A_188 = vector.broadcast %broadcast_in_dim3A_187 : i32 to vector<16xi32>
      %broadcast_in_dim3A_189 = arith.constant 0 : i32
      %broadcast_in_dim3A_190 = vector.broadcast %broadcast_in_dim3A_189 : i32 to vector<16xi32>
      %slice3A = vector.extract_strided_slice %get3A_186 {offsets = [0], sizes = [1], strides = [1]} : vector<16xf32> to vector<1xf32>
      %squeeze3A = vector.extract %slice3A[0] : f32 from vector<1xf32>
      %lt3A = vector.broadcast %squeeze3A : f32 to vector<16xf32>
      %lt3A_191 = arith.cmpf olt, %lt3A, %get3A_69 : vector<16xf32>
      %select_n3A_192 = arith.select %lt3A_191, %broadcast_in_dim3A_188, %broadcast_in_dim3A_190 : vector<16xi1>, vector<16xi32>
      %add3A_193 = arith.addi %scan3A_182, %select_n3A_192 : vector<16xi32>
      %slice3A_194 = vector.extract_strided_slice %get3A_186 {offsets = [1], sizes = [1], strides = [1]} : vector<16xf32> to vector<1xf32>
      %squeeze3A_195 = vector.extract %slice3A_194[0] : f32 from vector<1xf32>
      %lt3A_196 = vector.broadcast %squeeze3A_195 : f32 to vector<16xf32>
      %lt3A_197 = arith.cmpf olt, %lt3A_196, %get3A_69 : vector<16xf32>
      %select_n3A_198 = arith.select %lt3A_197, %broadcast_in_dim3A_188, %broadcast_in_dim3A_190 : vector<16xi1>, vector<16xi32>
      %add3A_199 = arith.addi %add3A_193, %select_n3A_198 : vector<16xi32>
      %slice3A_200 = vector.extract_strided_slice %get3A_186 {offsets = [2], sizes = [1], strides = [1]} : vector<16xf32> to vector<1xf32>
      %squeeze3A_201 = vector.extract %slice3A_200[0] : f32 from vector<1xf32>
      %lt3A_202 = vector.broadcast %squeeze3A_201 : f32 to vector<16xf32>
      %lt3A_203 = arith.cmpf olt, %lt3A_202, %get3A_69 : vector<16xf32>
      %select_n3A_204 = arith.select %lt3A_203, %broadcast_in_dim3A_188, %broadcast_in_dim3A_190 : vector<16xi1>, vector<16xi32>
      %add3A_205 = arith.addi %add3A_199, %select_n3A_204 : vector<16xi32>
      %slice3A_206 = vector.extract_strided_slice %get3A_186 {offsets = [3], sizes = [1], strides = [1]} : vector<16xf32> to vector<1xf32>
      %squeeze3A_207 = vector.extract %slice3A_206[0] : f32 from vector<1xf32>
      %lt3A_208 = vector.broadcast %squeeze3A_207 : f32 to vector<16xf32>
      %lt3A_209 = arith.cmpf olt, %lt3A_208, %get3A_69 : vector<16xf32>
      %select_n3A_210 = arith.select %lt3A_209, %broadcast_in_dim3A_188, %broadcast_in_dim3A_190 : vector<16xi1>, vector<16xi32>
      %add3A_211 = arith.addi %add3A_205, %select_n3A_210 : vector<16xi32>
      %slice3A_212 = vector.extract_strided_slice %get3A_186 {offsets = [4], sizes = [1], strides = [1]} : vector<16xf32> to vector<1xf32>
      %squeeze3A_213 = vector.extract %slice3A_212[0] : f32 from vector<1xf32>
      %lt3A_214 = vector.broadcast %squeeze3A_213 : f32 to vector<16xf32>
      %lt3A_215 = arith.cmpf olt, %lt3A_214, %get3A_69 : vector<16xf32>
      %select_n3A_216 = arith.select %lt3A_215, %broadcast_in_dim3A_188, %broadcast_in_dim3A_190 : vector<16xi1>, vector<16xi32>
      %add3A_217 = arith.addi %add3A_211, %select_n3A_216 : vector<16xi32>
      %slice3A_218 = vector.extract_strided_slice %get3A_186 {offsets = [5], sizes = [1], strides = [1]} : vector<16xf32> to vector<1xf32>
      %squeeze3A_219 = vector.extract %slice3A_218[0] : f32 from vector<1xf32>
      %lt3A_220 = vector.broadcast %squeeze3A_219 : f32 to vector<16xf32>
      %lt3A_221 = arith.cmpf olt, %lt3A_220, %get3A_69 : vector<16xf32>
      %select_n3A_222 = arith.select %lt3A_221, %broadcast_in_dim3A_188, %broadcast_in_dim3A_190 : vector<16xi1>, vector<16xi32>
      %add3A_223 = arith.addi %add3A_217, %select_n3A_222 : vector<16xi32>
      %slice3A_224 = vector.extract_strided_slice %get3A_186 {offsets = [6], sizes = [1], strides = [1]} : vector<16xf32> to vector<1xf32>
      %squeeze3A_225 = vector.extract %slice3A_224[0] : f32 from vector<1xf32>
      %lt3A_226 = vector.broadcast %squeeze3A_225 : f32 to vector<16xf32>
      %lt3A_227 = arith.cmpf olt, %lt3A_226, %get3A_69 : vector<16xf32>
      %select_n3A_228 = arith.select %lt3A_227, %broadcast_in_dim3A_188, %broadcast_in_dim3A_190 : vector<16xi1>, vector<16xi32>
      %add3A_229 = arith.addi %add3A_223, %select_n3A_228 : vector<16xi32>
      %slice3A_230 = vector.extract_strided_slice %get3A_186 {offsets = [7], sizes = [1], strides = [1]} : vector<16xf32> to vector<1xf32>
      %squeeze3A_231 = vector.extract %slice3A_230[0] : f32 from vector<1xf32>
      %lt3A_232 = vector.broadcast %squeeze3A_231 : f32 to vector<16xf32>
      %lt3A_233 = arith.cmpf olt, %lt3A_232, %get3A_69 : vector<16xf32>
      %select_n3A_234 = arith.select %lt3A_233, %broadcast_in_dim3A_188, %broadcast_in_dim3A_190 : vector<16xi1>, vector<16xi32>
      %add3A_235 = arith.addi %add3A_229, %select_n3A_234 : vector<16xi32>
      %slice3A_236 = vector.extract_strided_slice %get3A_186 {offsets = [8], sizes = [1], strides = [1]} : vector<16xf32> to vector<1xf32>
      %squeeze3A_237 = vector.extract %slice3A_236[0] : f32 from vector<1xf32>
      %lt3A_238 = vector.broadcast %squeeze3A_237 : f32 to vector<16xf32>
      %lt3A_239 = arith.cmpf olt, %lt3A_238, %get3A_69 : vector<16xf32>
      %select_n3A_240 = arith.select %lt3A_239, %broadcast_in_dim3A_188, %broadcast_in_dim3A_190 : vector<16xi1>, vector<16xi32>
      %add3A_241 = arith.addi %add3A_235, %select_n3A_240 : vector<16xi32>
      %slice3A_242 = vector.extract_strided_slice %get3A_186 {offsets = [9], sizes = [1], strides = [1]} : vector<16xf32> to vector<1xf32>
      %squeeze3A_243 = vector.extract %slice3A_242[0] : f32 from vector<1xf32>
      %lt3A_244 = vector.broadcast %squeeze3A_243 : f32 to vector<16xf32>
      %lt3A_245 = arith.cmpf olt, %lt3A_244, %get3A_69 : vector<16xf32>
      %select_n3A_246 = arith.select %lt3A_245, %broadcast_in_dim3A_188, %broadcast_in_dim3A_190 : vector<16xi1>, vector<16xi32>
      %add3A_247 = arith.addi %add3A_241, %select_n3A_246 : vector<16xi32>
      %slice3A_248 = vector.extract_strided_slice %get3A_186 {offsets = [10], sizes = [1], strides = [1]} : vector<16xf32> to vector<1xf32>
      %squeeze3A_249 = vector.extract %slice3A_248[0] : f32 from vector<1xf32>
      %lt3A_250 = vector.broadcast %squeeze3A_249 : f32 to vector<16xf32>
      %lt3A_251 = arith.cmpf olt, %lt3A_250, %get3A_69 : vector<16xf32>
      %select_n3A_252 = arith.select %lt3A_251, %broadcast_in_dim3A_188, %broadcast_in_dim3A_190 : vector<16xi1>, vector<16xi32>
      %add3A_253 = arith.addi %add3A_247, %select_n3A_252 : vector<16xi32>
      %slice3A_254 = vector.extract_strided_slice %get3A_186 {offsets = [11], sizes = [1], strides = [1]} : vector<16xf32> to vector<1xf32>
      %squeeze3A_255 = vector.extract %slice3A_254[0] : f32 from vector<1xf32>
      %lt3A_256 = vector.broadcast %squeeze3A_255 : f32 to vector<16xf32>
      %lt3A_257 = arith.cmpf olt, %lt3A_256, %get3A_69 : vector<16xf32>
      %select_n3A_258 = arith.select %lt3A_257, %broadcast_in_dim3A_188, %broadcast_in_dim3A_190 : vector<16xi1>, vector<16xi32>
      %add3A_259 = arith.addi %add3A_253, %select_n3A_258 : vector<16xi32>
      %slice3A_260 = vector.extract_strided_slice %get3A_186 {offsets = [12], sizes = [1], strides = [1]} : vector<16xf32> to vector<1xf32>
      %squeeze3A_261 = vector.extract %slice3A_260[0] : f32 from vector<1xf32>
      %lt3A_262 = vector.broadcast %squeeze3A_261 : f32 to vector<16xf32>
      %lt3A_263 = arith.cmpf olt, %lt3A_262, %get3A_69 : vector<16xf32>
      %select_n3A_264 = arith.select %lt3A_263, %broadcast_in_dim3A_188, %broadcast_in_dim3A_190 : vector<16xi1>, vector<16xi32>
      %add3A_265 = arith.addi %add3A_259, %select_n3A_264 : vector<16xi32>
      %slice3A_266 = vector.extract_strided_slice %get3A_186 {offsets = [13], sizes = [1], strides = [1]} : vector<16xf32> to vector<1xf32>
      %squeeze3A_267 = vector.extract %slice3A_266[0] : f32 from vector<1xf32>
      %lt3A_268 = vector.broadcast %squeeze3A_267 : f32 to vector<16xf32>
      %lt3A_269 = arith.cmpf olt, %lt3A_268, %get3A_69 : vector<16xf32>
      %select_n3A_270 = arith.select %lt3A_269, %broadcast_in_dim3A_188, %broadcast_in_dim3A_190 : vector<16xi1>, vector<16xi32>
      %add3A_271 = arith.addi %add3A_265, %select_n3A_270 : vector<16xi32>
      %slice3A_272 = vector.extract_strided_slice %get3A_186 {offsets = [14], sizes = [1], strides = [1]} : vector<16xf32> to vector<1xf32>
      %squeeze3A_273 = vector.extract %slice3A_272[0] : f32 from vector<1xf32>
      %lt3A_274 = vector.broadcast %squeeze3A_273 : f32 to vector<16xf32>
      %lt3A_275 = arith.cmpf olt, %lt3A_274, %get3A_69 : vector<16xf32>
      %select_n3A_276 = arith.select %lt3A_275, %broadcast_in_dim3A_188, %broadcast_in_dim3A_190 : vector<16xi1>, vector<16xi32>
      %add3A_277 = arith.addi %add3A_271, %select_n3A_276 : vector<16xi32>
      %slice3A_278 = vector.extract_strided_slice %get3A_186 {offsets = [15], sizes = [1], strides = [1]} : vector<16xf32> to vector<1xf32>
      %squeeze3A_279 = vector.extract %slice3A_278[0] : f32 from vector<1xf32>
      %lt3A_280 = vector.broadcast %squeeze3A_279 : f32 to vector<16xf32>
      %lt3A_281 = arith.cmpf olt, %lt3A_280, %get3A_69 : vector<16xf32>
      %select_n3A_282 = arith.select %lt3A_281, %broadcast_in_dim3A_188, %broadcast_in_dim3A_190 : vector<16xi1>, vector<16xi32>
      %add3A_283 = arith.addi %add3A_277, %select_n3A_282 : vector<16xi32>
      scf.yield %add3A_283 : vector<16xi32>
    }
    %scan3A_77 = arith.constant 8 : i32
    %min3A_78 = arith.constant 127 : i32
    %min3A_79 = vector.broadcast %min3A_78 : i32 to vector<16xi32>
    %min3A_80 = arith.minsi %scan3A_76, %min3A_79 : vector<16xi32>
    %sub3A_81 = arith.constant 1 : i32
    %sub3A_82 = vector.broadcast %sub3A_81 : i32 to vector<16xi32>
    %sub3A_83 = arith.subi %min3A_80, %sub3A_82 : vector<16xi32>
    %max3A_84 = arith.constant 0 : i32
    %max3A_85 = vector.broadcast %max3A_84 : i32 to vector<16xi32>
    %max3A_86 = arith.maxsi %sub3A_83, %max3A_85 : vector<16xi32>
    %gather3A_87 = tpu.vector_load_idx %arg6[%max3A_86] : memref<128xf32, #tpu.memory_space<vmem>>[vector<16xi32>], vector<16xf32>,
    %eq3A_88 = arith.cmpf oeq, %gather3A_87, %get3A_69 : vector<16xf32>
    %gt3A_89 = arith.constant 0 : i32
    %gt3A_90 = vector.broadcast %gt3A_89 : i32 to vector<16xi32>
    %gt3A_91 = arith.cmpi sgt, %max3A_86, %gt3A_90 : vector<16xi32>
    %and3A_92 = arith.andi %eq3A_88, %gt3A_91 : vector<16xi1>
    %sub3A_93 = arith.constant 1 : i32
    %sub3A_94 = vector.broadcast %sub3A_93 : i32 to vector<16xi32>
    %sub3A_95 = arith.subi %max3A_86, %sub3A_94 : vector<16xi32>
    %select_n3A_96 = arith.select %and3A_92, %sub3A_95, %max3A_86 : vector<16xi1>, vector<16xi32>
    %gather3A_97 = tpu.vector_load_idx %arg6[%select_n3A_96] : memref<128xf32, #tpu.memory_space<vmem>>[vector<16xi32>], vector<16xf32>,
    %gather3A_98 = tpu.vector_load_idx %arg6[%min3A_80] : memref<128xf32, #tpu.memory_space<vmem>>[vector<16xi32>], vector<16xf32>,
    %sub3A_99 = arith.subf %gather3A_98, %gather3A_97 : vector<16xf32>
    %eq3A_100 = arith.constant 0.000000e+00 : f32
    %eq3A_101 = vector.broadcast %eq3A_100 : f32 to vector<16xf32>
    %eq3A_102 = arith.cmpf oeq, %sub3A_99, %eq3A_101 : vector<16xf32>
    %jit3A_103 = arith.constant 9.99999997E-7 : f32
    %broadcast_in_dim3A_104 = vector.broadcast %jit3A_103 : f32 to vector<16xf32>
    %select_n3A_105 = arith.select %eq3A_102, %broadcast_in_dim3A_104, %sub3A_99 : vector<16xi1>, vector<16xf32>
    %sub3A_106 = arith.subf %get3A_69, %gather3A_97 : vector<16xf32>
    %div3A_107 = arith.divf %sub3A_106, %select_n3A_105 : vector<16xf32>
    %get3A_108 = arith.constant 48 : index
    %get3A_109 = tpu.vector_load %arg7[%get3A_108] {strides = array<i32>} : memref<64xf32, #tpu.memory_space<vmem>>, vector<16xf32>,
    %broadcast_in_dim3A_110 = arith.constant 0 : i32
    %broadcast_in_dim3A_111 = vector.broadcast %broadcast_in_dim3A_110 : i32 to vector<16xi32>
    %scan3A_112 = arith.constant 0 : i32
    %scan3A_113 = arith.constant 8 : i32
    %scan3A_114 = arith.addi %scan3A_112, %scan3A_113 : i32
    %scan3A_115 = arith.constant 1 : i32
    %scan3A_116 = scf.for %scan3A_181 = %scan3A_112 to %scan3A_114 step %scan3A_115 iter_args(%scan3A_182 = %broadcast_in_dim3A_111) -> (vector<16xi32>)  : i32 {
      %mul3A_183 = arith.constant 16 : i32
      %mul3A_184 = arith.muli %scan3A_181, %mul3A_183 : i32
      %get3A_185 = arith.index_cast %mul3A_184 : i32 to index
      %get3A_186 = tpu.vector_load %arg6[%get3A_185] {strides = array<i32>} : memref<128xf32, #tpu.memory_space<vmem>>, vector<16xf32>,
      %broadcast_in_dim3A_187 = arith.constant 1 : i32
      %broadcast_in_dim3A_188 = vector.broadcast %broadcast_in_dim3A_187 : i32 to vector<16xi32>
      %broadcast_in_dim3A_189 = arith.constant 0 : i32
      %broadcast_in_dim3A_190 = vector.broadcast %broadcast_in_dim3A_189 : i32 to vector<16xi32>
      %slice3A = vector.extract_strided_slice %get3A_186 {offsets = [0], sizes = [1], strides = [1]} : vector<16xf32> to vector<1xf32>
      %squeeze3A = vector.extract %slice3A[0] : f32 from vector<1xf32>
      %lt3A = vector.broadcast %squeeze3A : f32 to vector<16xf32>
      %lt3A_191 = arith.cmpf olt, %lt3A, %get3A_109 : vector<16xf32>
      %select_n3A_192 = arith.select %lt3A_191, %broadcast_in_dim3A_188, %broadcast_in_dim3A_190 : vector<16xi1>, vector<16xi32>
      %add3A_193 = arith.addi %scan3A_182, %select_n3A_192 : vector<16xi32>
      %slice3A_194 = vector.extract_strided_slice %get3A_186 {offsets = [1], sizes = [1], strides = [1]} : vector<16xf32> to vector<1xf32>
      %squeeze3A_195 = vector.extract %slice3A_194[0] : f32 from vector<1xf32>
      %lt3A_196 = vector.broadcast %squeeze3A_195 : f32 to vector<16xf32>
      %lt3A_197 = arith.cmpf olt, %lt3A_196, %get3A_109 : vector<16xf32>
      %select_n3A_198 = arith.select %lt3A_197, %broadcast_in_dim3A_188, %broadcast_in_dim3A_190 : vector<16xi1>, vector<16xi32>
      %add3A_199 = arith.addi %add3A_193, %select_n3A_198 : vector<16xi32>
      %slice3A_200 = vector.extract_strided_slice %get3A_186 {offsets = [2], sizes = [1], strides = [1]} : vector<16xf32> to vector<1xf32>
      %squeeze3A_201 = vector.extract %slice3A_200[0] : f32 from vector<1xf32>
      %lt3A_202 = vector.broadcast %squeeze3A_201 : f32 to vector<16xf32>
      %lt3A_203 = arith.cmpf olt, %lt3A_202, %get3A_109 : vector<16xf32>
      %select_n3A_204 = arith.select %lt3A_203, %broadcast_in_dim3A_188, %broadcast_in_dim3A_190 : vector<16xi1>, vector<16xi32>
      %add3A_205 = arith.addi %add3A_199, %select_n3A_204 : vector<16xi32>
      %slice3A_206 = vector.extract_strided_slice %get3A_186 {offsets = [3], sizes = [1], strides = [1]} : vector<16xf32> to vector<1xf32>
      %squeeze3A_207 = vector.extract %slice3A_206[0] : f32 from vector<1xf32>
      %lt3A_208 = vector.broadcast %squeeze3A_207 : f32 to vector<16xf32>
      %lt3A_209 = arith.cmpf olt, %lt3A_208, %get3A_109 : vector<16xf32>
      %select_n3A_210 = arith.select %lt3A_209, %broadcast_in_dim3A_188, %broadcast_in_dim3A_190 : vector<16xi1>, vector<16xi32>
      %add3A_211 = arith.addi %add3A_205, %select_n3A_210 : vector<16xi32>
      %slice3A_212 = vector.extract_strided_slice %get3A_186 {offsets = [4], sizes = [1], strides = [1]} : vector<16xf32> to vector<1xf32>
      %squeeze3A_213 = vector.extract %slice3A_212[0] : f32 from vector<1xf32>
      %lt3A_214 = vector.broadcast %squeeze3A_213 : f32 to vector<16xf32>
      %lt3A_215 = arith.cmpf olt, %lt3A_214, %get3A_109 : vector<16xf32>
      %select_n3A_216 = arith.select %lt3A_215, %broadcast_in_dim3A_188, %broadcast_in_dim3A_190 : vector<16xi1>, vector<16xi32>
      %add3A_217 = arith.addi %add3A_211, %select_n3A_216 : vector<16xi32>
      %slice3A_218 = vector.extract_strided_slice %get3A_186 {offsets = [5], sizes = [1], strides = [1]} : vector<16xf32> to vector<1xf32>
      %squeeze3A_219 = vector.extract %slice3A_218[0] : f32 from vector<1xf32>
      %lt3A_220 = vector.broadcast %squeeze3A_219 : f32 to vector<16xf32>
      %lt3A_221 = arith.cmpf olt, %lt3A_220, %get3A_109 : vector<16xf32>
      %select_n3A_222 = arith.select %lt3A_221, %broadcast_in_dim3A_188, %broadcast_in_dim3A_190 : vector<16xi1>, vector<16xi32>
      %add3A_223 = arith.addi %add3A_217, %select_n3A_222 : vector<16xi32>
      %slice3A_224 = vector.extract_strided_slice %get3A_186 {offsets = [6], sizes = [1], strides = [1]} : vector<16xf32> to vector<1xf32>
      %squeeze3A_225 = vector.extract %slice3A_224[0] : f32 from vector<1xf32>
      %lt3A_226 = vector.broadcast %squeeze3A_225 : f32 to vector<16xf32>
      %lt3A_227 = arith.cmpf olt, %lt3A_226, %get3A_109 : vector<16xf32>
      %select_n3A_228 = arith.select %lt3A_227, %broadcast_in_dim3A_188, %broadcast_in_dim3A_190 : vector<16xi1>, vector<16xi32>
      %add3A_229 = arith.addi %add3A_223, %select_n3A_228 : vector<16xi32>
      %slice3A_230 = vector.extract_strided_slice %get3A_186 {offsets = [7], sizes = [1], strides = [1]} : vector<16xf32> to vector<1xf32>
      %squeeze3A_231 = vector.extract %slice3A_230[0] : f32 from vector<1xf32>
      %lt3A_232 = vector.broadcast %squeeze3A_231 : f32 to vector<16xf32>
      %lt3A_233 = arith.cmpf olt, %lt3A_232, %get3A_109 : vector<16xf32>
      %select_n3A_234 = arith.select %lt3A_233, %broadcast_in_dim3A_188, %broadcast_in_dim3A_190 : vector<16xi1>, vector<16xi32>
      %add3A_235 = arith.addi %add3A_229, %select_n3A_234 : vector<16xi32>
      %slice3A_236 = vector.extract_strided_slice %get3A_186 {offsets = [8], sizes = [1], strides = [1]} : vector<16xf32> to vector<1xf32>
      %squeeze3A_237 = vector.extract %slice3A_236[0] : f32 from vector<1xf32>
      %lt3A_238 = vector.broadcast %squeeze3A_237 : f32 to vector<16xf32>
      %lt3A_239 = arith.cmpf olt, %lt3A_238, %get3A_109 : vector<16xf32>
      %select_n3A_240 = arith.select %lt3A_239, %broadcast_in_dim3A_188, %broadcast_in_dim3A_190 : vector<16xi1>, vector<16xi32>
      %add3A_241 = arith.addi %add3A_235, %select_n3A_240 : vector<16xi32>
      %slice3A_242 = vector.extract_strided_slice %get3A_186 {offsets = [9], sizes = [1], strides = [1]} : vector<16xf32> to vector<1xf32>
      %squeeze3A_243 = vector.extract %slice3A_242[0] : f32 from vector<1xf32>
      %lt3A_244 = vector.broadcast %squeeze3A_243 : f32 to vector<16xf32>
      %lt3A_245 = arith.cmpf olt, %lt3A_244, %get3A_109 : vector<16xf32>
      %select_n3A_246 = arith.select %lt3A_245, %broadcast_in_dim3A_188, %broadcast_in_dim3A_190 : vector<16xi1>, vector<16xi32>
      %add3A_247 = arith.addi %add3A_241, %select_n3A_246 : vector<16xi32>
      %slice3A_248 = vector.extract_strided_slice %get3A_186 {offsets = [10], sizes = [1], strides = [1]} : vector<16xf32> to vector<1xf32>
      %squeeze3A_249 = vector.extract %slice3A_248[0] : f32 from vector<1xf32>
      %lt3A_250 = vector.broadcast %squeeze3A_249 : f32 to vector<16xf32>
      %lt3A_251 = arith.cmpf olt, %lt3A_250, %get3A_109 : vector<16xf32>
      %select_n3A_252 = arith.select %lt3A_251, %broadcast_in_dim3A_188, %broadcast_in_dim3A_190 : vector<16xi1>, vector<16xi32>
      %add3A_253 = arith.addi %add3A_247, %select_n3A_252 : vector<16xi32>
      %slice3A_254 = vector.extract_strided_slice %get3A_186 {offsets = [11], sizes = [1], strides = [1]} : vector<16xf32> to vector<1xf32>
      %squeeze3A_255 = vector.extract %slice3A_254[0] : f32 from vector<1xf32>
      %lt3A_256 = vector.broadcast %squeeze3A_255 : f32 to vector<16xf32>
      %lt3A_257 = arith.cmpf olt, %lt3A_256, %get3A_109 : vector<16xf32>
      %select_n3A_258 = arith.select %lt3A_257, %broadcast_in_dim3A_188, %broadcast_in_dim3A_190 : vector<16xi1>, vector<16xi32>
      %add3A_259 = arith.addi %add3A_253, %select_n3A_258 : vector<16xi32>
      %slice3A_260 = vector.extract_strided_slice %get3A_186 {offsets = [12], sizes = [1], strides = [1]} : vector<16xf32> to vector<1xf32>
      %squeeze3A_261 = vector.extract %slice3A_260[0] : f32 from vector<1xf32>
      %lt3A_262 = vector.broadcast %squeeze3A_261 : f32 to vector<16xf32>
      %lt3A_263 = arith.cmpf olt, %lt3A_262, %get3A_109 : vector<16xf32>
      %select_n3A_264 = arith.select %lt3A_263, %broadcast_in_dim3A_188, %broadcast_in_dim3A_190 : vector<16xi1>, vector<16xi32>
      %add3A_265 = arith.addi %add3A_259, %select_n3A_264 : vector<16xi32>
      %slice3A_266 = vector.extract_strided_slice %get3A_186 {offsets = [13], sizes = [1], strides = [1]} : vector<16xf32> to vector<1xf32>
      %squeeze3A_267 = vector.extract %slice3A_266[0] : f32 from vector<1xf32>
      %lt3A_268 = vector.broadcast %squeeze3A_267 : f32 to vector<16xf32>
      %lt3A_269 = arith.cmpf olt, %lt3A_268, %get3A_109 : vector<16xf32>
      %select_n3A_270 = arith.select %lt3A_269, %broadcast_in_dim3A_188, %broadcast_in_dim3A_190 : vector<16xi1>, vector<16xi32>
      %add3A_271 = arith.addi %add3A_265, %select_n3A_270 : vector<16xi32>
      %slice3A_272 = vector.extract_strided_slice %get3A_186 {offsets = [14], sizes = [1], strides = [1]} : vector<16xf32> to vector<1xf32>
      %squeeze3A_273 = vector.extract %slice3A_272[0] : f32 from vector<1xf32>
      %lt3A_274 = vector.broadcast %squeeze3A_273 : f32 to vector<16xf32>
      %lt3A_275 = arith.cmpf olt, %lt3A_274, %get3A_109 : vector<16xf32>
      %select_n3A_276 = arith.select %lt3A_275, %broadcast_in_dim3A_188, %broadcast_in_dim3A_190 : vector<16xi1>, vector<16xi32>
      %add3A_277 = arith.addi %add3A_271, %select_n3A_276 : vector<16xi32>
      %slice3A_278 = vector.extract_strided_slice %get3A_186 {offsets = [15], sizes = [1], strides = [1]} : vector<16xf32> to vector<1xf32>
      %squeeze3A_279 = vector.extract %slice3A_278[0] : f32 from vector<1xf32>
      %lt3A_280 = vector.broadcast %squeeze3A_279 : f32 to vector<16xf32>
      %lt3A_281 = arith.cmpf olt, %lt3A_280, %get3A_109 : vector<16xf32>
      %select_n3A_282 = arith.select %lt3A_281, %broadcast_in_dim3A_188, %broadcast_in_dim3A_190 : vector<16xi1>, vector<16xi32>
      %add3A_283 = arith.addi %add3A_277, %select_n3A_282 : vector<16xi32>
      scf.yield %add3A_283 : vector<16xi32>
    }
    %scan3A_117 = arith.constant 8 : i32
    %min3A_118 = arith.constant 127 : i32
    %min3A_119 = vector.broadcast %min3A_118 : i32 to vector<16xi32>
    %min3A_120 = arith.minsi %scan3A_116, %min3A_119 : vector<16xi32>
    %sub3A_121 = arith.constant 1 : i32
    %sub3A_122 = vector.broadcast %sub3A_121 : i32 to vector<16xi32>
    %sub3A_123 = arith.subi %min3A_120, %sub3A_122 : vector<16xi32>
    %max3A_124 = arith.constant 0 : i32
    %max3A_125 = vector.broadcast %max3A_124 : i32 to vector<16xi32>
    %max3A_126 = arith.maxsi %sub3A_123, %max3A_125 : vector<16xi32>
    %gather3A_127 = tpu.vector_load_idx %arg6[%max3A_126] : memref<128xf32, #tpu.memory_space<vmem>>[vector<16xi32>], vector<16xf32>,
    %eq3A_128 = arith.cmpf oeq, %gather3A_127, %get3A_109 : vector<16xf32>
    %gt3A_129 = arith.constant 0 : i32
    %gt3A_130 = vector.broadcast %gt3A_129 : i32 to vector<16xi32>
    %gt3A_131 = arith.cmpi sgt, %max3A_126, %gt3A_130 : vector<16xi32>
    %and3A_132 = arith.andi %eq3A_128, %gt3A_131 : vector<16xi1>
    %sub3A_133 = arith.constant 1 : i32
    %sub3A_134 = vector.broadcast %sub3A_133 : i32 to vector<16xi32>
    %sub3A_135 = arith.subi %max3A_126, %sub3A_134 : vector<16xi32>
    %select_n3A_136 = arith.select %and3A_132, %sub3A_135, %max3A_126 : vector<16xi1>, vector<16xi32>
    %gather3A_137 = tpu.vector_load_idx %arg6[%select_n3A_136] : memref<128xf32, #tpu.memory_space<vmem>>[vector<16xi32>], vector<16xf32>,
    %gather3A_138 = tpu.vector_load_idx %arg6[%min3A_120] : memref<128xf32, #tpu.memory_space<vmem>>[vector<16xi32>], vector<16xf32>,
    %sub3A_139 = arith.subf %gather3A_138, %gather3A_137 : vector<16xf32>
    %eq3A_140 = arith.constant 0.000000e+00 : f32
    %eq3A_141 = vector.broadcast %eq3A_140 : f32 to vector<16xf32>
    %eq3A_142 = arith.cmpf oeq, %sub3A_139, %eq3A_141 : vector<16xf32>
    %jit3A_143 = arith.constant 9.99999997E-7 : f32
    %broadcast_in_dim3A_144 = vector.broadcast %jit3A_143 : f32 to vector<16xf32>
    %select_n3A_145 = arith.select %eq3A_142, %broadcast_in_dim3A_144, %sub3A_139 : vector<16xi1>, vector<16xf32>
    %sub3A_146 = arith.subf %get3A_109, %gather3A_137 : vector<16xf32>
    %div3A_147 = arith.divf %sub3A_146, %select_n3A_145 : vector<16xf32>
    %mul3A_148 = arith.constant 256 : i32
    %mul3A_149 = arith.muli %add3A, %mul3A_148 : i32
    %add3A_150 = arith.constant 0 : i32
    %add3A_151 = arith.addi %mul3A_149, %add3A_150 : i32
    %dma_start3A = arith.constant 0 : i32
    %dma_start3A_152 = arith.constant 0 : i32
    %dma_start3A_153 = tpu.memref_slice %arg4[%add3A_151, %dma_start3A, %dma_start3A_152] : memref<8192x32x128xf32, #tpu.memory_space<hbm>> -> memref<8x32x128xf32, #tpu.memory_space<hbm>>
    %dma_start3A_154 = arith.constant 0 : i32
    %dma_start3A_155 = arith.constant 0 : i32
    %dma_start3A_156 = tpu.memref_slice %arg4[%add3A_151, %dma_start3A_154, %dma_start3A_155] : memref<8192x32x128xf32, #tpu.memory_space<hbm>> -> memref<8x32x128xf32, #tpu.memory_space<hbm>>
    tpu.enqueue_dma source(%dma_start3A_156 : memref<8x32x128xf32, #tpu.memory_space<hbm>>) target(%arg8 : memref<8x32x128xf32, #tpu.memory_space<vmem>>) target_semaphore(%arg12 : memref<!tpu.dma_semaphore, #tpu.memory_space<semaphore_mem>>)
    %dma_wait3A = arith.constant 0 : i32
    %dma_wait3A_157 = arith.constant 0 : i32
    %dma_wait3A_158 = tpu.memref_slice %arg4[%add3A_151, %dma_wait3A, %dma_wait3A_157] : memref<8192x32x128xf32, #tpu.memory_space<hbm>> -> memref<8x32x128xf32, #tpu.memory_space<hbm>>
    %dma_wait3A_159 = arith.constant 0 : i32
    %dma_wait3A_160 = arith.constant 0 : i32
    %dma_wait3A_161 = tpu.memref_slice %arg4[%add3A_151, %dma_wait3A_159, %dma_wait3A_160] : memref<8192x32x128xf32, #tpu.memory_space<hbm>> -> memref<8x32x128xf32, #tpu.memory_space<hbm>>
    tpu.wait_dma2 semaphore(%arg12 : memref<!tpu.dma_semaphore, #tpu.memory_space<semaphore_mem>>) src(%dma_wait3A_161 : memref<8x32x128xf32, #tpu.memory_space<hbm>>) dst(%arg8 : memref<8x32x128xf32, #tpu.memory_space<vmem>>)
    %scan3A_162 = arith.constant 0 : i32
    %scan3A_163 = arith.constant 0 : i32
    %scan3A_164 = arith.constant 16 : i32
    %scan3A_165 = arith.addi %scan3A_163, %scan3A_164 : i32
    %scan3A_166 = arith.constant 1 : i32
    %scan3A_167 = scf.for %scan3A_181 = %scan3A_163 to %scan3A_165 step %scan3A_166 iter_args(%scan3A_182 = %scan3A_162) -> (i32)  : i32 {
      %mul3A_183 = arith.constant 2 : i32
      %mul3A_184 = arith.muli %scan3A_181, %mul3A_183 : i32
      %add3A_185 = arith.constant 0 : i32
      %add3A_186 = arith.addi %mul3A_184, %add3A_185 : i32
      %add3A_187 = arith.constant 1 : i32
      %add3A_188 = arith.addi %add3A_186, %add3A_187 : i32
      %lt3A = arith.constant 32 : i32
      %lt3A_189 = arith.cmpi slt, %add3A_188, %lt3A : i32
      %convert_element_type3A = arith.extui %lt3A_189 : i1 to i32
      %cond3A = arith.constant 0 : i32
      %cond3A_190 = arith.cmpi ne, %convert_element_type3A, %cond3A : i32
      scf.if %cond3A_190 {
        %mul3A_239 = arith.constant 8 : i32
        %mul3A_240 = arith.muli %add3A_188, %mul3A_239 : i32
        %add3A_241 = arith.addi %mul3A_149, %mul3A_240 : i32
        %dma_start3A_242 = arith.constant 0 : i32
        %dma_start3A_243 = arith.constant 0 : i32
        %dma_start3A_244 = tpu.memref_slice %arg4[%add3A_241, %dma_start3A_242, %dma_start3A_243] : memref<8192x32x128xf32, #tpu.memory_space<hbm>> -> memref<8x32x128xf32, #tpu.memory_space<hbm>>
        %dma_start3A_245 = arith.constant 0 : i32
        %dma_start3A_246 = arith.constant 0 : i32
        %dma_start3A_247 = tpu.memref_slice %arg4[%add3A_241, %dma_start3A_245, %dma_start3A_246] : memref<8192x32x128xf32, #tpu.memory_space<hbm>> -> memref<8x32x128xf32, #tpu.memory_space<hbm>>
        tpu.enqueue_dma source(%dma_start3A_247 : memref<8x32x128xf32, #tpu.memory_space<hbm>>) target(%arg9 : memref<8x32x128xf32, #tpu.memory_space<vmem>>) target_semaphore(%arg13 : memref<!tpu.dma_semaphore, #tpu.memory_space<semaphore_mem>>)
      } else {
      }
      %ge3A = arith.constant 2 : i32
      %ge3A_191 = arith.cmpi sge, %add3A_186, %ge3A : i32
      %convert_element_type3A_192 = arith.extui %ge3A_191 : i1 to i32
      %cond3A_193 = arith.constant 0 : i32
      %cond3A_194 = arith.cmpi ne, %convert_element_type3A_192, %cond3A_193 : i32
      scf.if %cond3A_194 {
        %dma_wait3A_239 = arith.constant 0 : i32
        %dma_wait3A_240 = arith.constant 0 : i32
        %dma_wait3A_241 = tpu.memref_slice %arg5[%dma_wait3A_239, %dma_wait3A_240] : memref<8192x2048xf32, #tpu.memory_space<hbm>> -> memref<8x2048xf32, #tpu.memory_space<hbm>>
        %dma_wait3A_242 = arith.constant 0 : i32
        %dma_wait3A_243 = arith.constant 0 : i32
        %dma_wait3A_244 = tpu.memref_slice %arg5[%dma_wait3A_242, %dma_wait3A_243] : memref<8192x2048xf32, #tpu.memory_space<hbm>> -> memref<8x2048xf32, #tpu.memory_space<hbm>>
        tpu.wait_dma2 semaphore(%arg14 : memref<!tpu.dma_semaphore, #tpu.memory_space<semaphore_mem>>) src(%arg10 : memref<8x2048xf32, #tpu.memory_space<vmem>>) dst(%dma_wait3A_244 : memref<8x2048xf32, #tpu.memory_space<hbm>>)
      } else {
      }
      %parallel_loop3A = arith.constant 0 : i32
      %parallel_loop3A_195 = arith.constant 256 : i32
      %parallel_loop3A_196 = arith.constant 1 : i32
      scf.for %parallel_loop3A_239 = %parallel_loop3A to %parallel_loop3A_195 step %parallel_loop3A_196  : i32 {
        %parallel_loop3A_240 = arith.constant 32 : i32
        %parallel_loop3A_241 = arith.divsi %parallel_loop3A_239, %parallel_loop3A_240 : i32
        %parallel_loop3A_242 = arith.constant 0 : i32
        %parallel_loop3A_243 = arith.cmpi sgt, %parallel_loop3A_239, %parallel_loop3A_242 : i32
        %parallel_loop3A_244 = arith.extui %parallel_loop3A_243 : i1 to i32
        %parallel_loop3A_245 = arith.constant 0 : i32
        %parallel_loop3A_246 = arith.cmpi slt, %parallel_loop3A_239, %parallel_loop3A_245 : i32
        %parallel_loop3A_247 = arith.extui %parallel_loop3A_246 : i1 to i32
        %parallel_loop3A_248 = arith.subi %parallel_loop3A_244, %parallel_loop3A_247 : i32
        %parallel_loop3A_249 = arith.constant 0 : i32
        %parallel_loop3A_250 = arith.cmpi sgt, %parallel_loop3A_240, %parallel_loop3A_249 : i32
        %parallel_loop3A_251 = arith.extui %parallel_loop3A_250 : i1 to i32
        %parallel_loop3A_252 = arith.constant 0 : i32
        %parallel_loop3A_253 = arith.cmpi slt, %parallel_loop3A_240, %parallel_loop3A_252 : i32
        %parallel_loop3A_254 = arith.extui %parallel_loop3A_253 : i1 to i32
        %parallel_loop3A_255 = arith.subi %parallel_loop3A_251, %parallel_loop3A_254 : i32
        %parallel_loop3A_256 = arith.cmpi ne, %parallel_loop3A_248, %parallel_loop3A_255 : i32
        %parallel_loop3A_257 = arith.remsi %parallel_loop3A_239, %parallel_loop3A_240 : i32
        %parallel_loop3A_258 = arith.constant 0 : i32
        %parallel_loop3A_259 = arith.cmpi ne, %parallel_loop3A_257, %parallel_loop3A_258 : i32
        %parallel_loop3A_260 = arith.andi %parallel_loop3A_256, %parallel_loop3A_259 : i1
        %parallel_loop3A_261 = arith.constant 1 : i32
        %parallel_loop3A_262 = arith.subi %parallel_loop3A_241, %parallel_loop3A_261 : i32
        %parallel_loop3A_263 = arith.select %parallel_loop3A_260, %parallel_loop3A_262, %parallel_loop3A_241 : i32
        %parallel_loop3A_264 = arith.constant 32 : i32
        %parallel_loop3A_265 = arith.constant 0 : i32
        %parallel_loop3A_266 = arith.cmpi eq, %parallel_loop3A_264, %parallel_loop3A_265 : i32
        %parallel_loop3A_267 = arith.constant 1 : i32
        %parallel_loop3A_268 = arith.select %parallel_loop3A_266, %parallel_loop3A_267, %parallel_loop3A_264 : i32
        %parallel_loop3A_269 = arith.remsi %parallel_loop3A_239, %parallel_loop3A_268 : i32
        %parallel_loop3A_270 = arith.constant 0 : i32
        %parallel_loop3A_271 = arith.cmpi ne, %parallel_loop3A_269, %parallel_loop3A_270 : i32
        %parallel_loop3A_272 = arith.constant 0 : i32
        %parallel_loop3A_273 = arith.cmpi slt, %parallel_loop3A_269, %parallel_loop3A_272 : i32
        %parallel_loop3A_274 = arith.constant 0 : i32
        %parallel_loop3A_275 = arith.cmpi slt, %parallel_loop3A_268, %parallel_loop3A_274 : i32
        %parallel_loop3A_276 = arith.xori %parallel_loop3A_273, %parallel_loop3A_275 : i1
        %parallel_loop3A_277 = arith.andi %parallel_loop3A_276, %parallel_loop3A_271 : i1
        %parallel_loop3A_278 = arith.addi %parallel_loop3A_269, %parallel_loop3A_268 : i32
        %parallel_loop3A_279 = arith.select %parallel_loop3A_277, %parallel_loop3A_278, %parallel_loop3A_269 : i32
        %parallel_loop3A_280 = vector.broadcast %parallel_loop3A_263 : i32 to vector<16xi32>
        %parallel_loop3A_281 = vector.broadcast %parallel_loop3A_279 : i32 to vector<16xi32>
        %parallel_loop3A_282 = tpu.vector_load_idx %arg8[%parallel_loop3A_280, %parallel_loop3A_281, %select_n3A] : memref<8x32x128xf32, #tpu.memory_space<vmem>>[vector<16xi32>, vector<16xi32>, vector<16xi32>], vector<16xf32>,
        %parallel_loop3A_283 = tpu.vector_load_idx %arg8[%parallel_loop3A_280, %parallel_loop3A_281, %min3A_9] : memref<8x32x128xf32, #tpu.memory_space<vmem>>[vector<16xi32>, vector<16xi32>, vector<16xi32>], vector<16xf32>,
        %parallel_loop3A_284 = arith.subf %parallel_loop3A_283, %parallel_loop3A_282 : vector<16xf32>
        %parallel_loop3A_285 = arith.mulf %div3A, %parallel_loop3A_284 : vector<16xf32>
        %parallel_loop3A_286 = arith.addf %parallel_loop3A_282, %parallel_loop3A_285 : vector<16xf32>
        %parallel_loop3A_287 = arith.constant 64 : i32
        %parallel_loop3A_288 = arith.muli %parallel_loop3A_279, %parallel_loop3A_287 : i32
        %parallel_loop3A_289 = arith.constant 0 : i32
        %parallel_loop3A_290 = arith.addi %parallel_loop3A_288, %parallel_loop3A_289 : i32
        %parallel_loop3A_291 = tpu.assume_multiple %parallel_loop3A_290, 16 : i32
        %parallel_loop3A_292 = arith.index_cast %parallel_loop3A_263 : i32 to index
        %parallel_loop3A_293 = arith.index_cast %parallel_loop3A_291 : i32 to index
        %parallel_loop3A_294 = tpu.vector_load %arg10[%parallel_loop3A_292, %parallel_loop3A_293] {strides = array<i32>} : memref<8x2048xf32, #tpu.memory_space<vmem>>, vector<16xf32>,
        tpu.vector_store %arg10[%parallel_loop3A_292, %parallel_loop3A_293], %parallel_loop3A_286 {strides = array<i32>} : memref<8x2048xf32, #tpu.memory_space<vmem>>, vector<16xf32>,
        %parallel_loop3A_295 = tpu.vector_load_idx %arg8[%parallel_loop3A_280, %parallel_loop3A_281, %select_n3A_56] : memref<8x32x128xf32, #tpu.memory_space<vmem>>[vector<16xi32>, vector<16xi32>, vector<16xi32>], vector<16xf32>,
        %parallel_loop3A_296 = tpu.vector_load_idx %arg8[%parallel_loop3A_280, %parallel_loop3A_281, %min3A_40] : memref<8x32x128xf32, #tpu.memory_space<vmem>>[vector<16xi32>, vector<16xi32>, vector<16xi32>], vector<16xf32>,
        %parallel_loop3A_297 = arith.subf %parallel_loop3A_296, %parallel_loop3A_295 : vector<16xf32>
        %parallel_loop3A_298 = arith.mulf %div3A_67, %parallel_loop3A_297 : vector<16xf32>
        %parallel_loop3A_299 = arith.addf %parallel_loop3A_295, %parallel_loop3A_298 : vector<16xf32>
        %parallel_loop3A_300 = arith.constant 64 : i32
        %parallel_loop3A_301 = arith.muli %parallel_loop3A_279, %parallel_loop3A_300 : i32
        %parallel_loop3A_302 = arith.constant 16 : i32
        %parallel_loop3A_303 = arith.addi %parallel_loop3A_301, %parallel_loop3A_302 : i32
        %parallel_loop3A_304 = tpu.assume_multiple %parallel_loop3A_303, 16 : i32
        %parallel_loop3A_305 = arith.index_cast %parallel_loop3A_263 : i32 to index
        %parallel_loop3A_306 = arith.index_cast %parallel_loop3A_304 : i32 to index
        %parallel_loop3A_307 = tpu.vector_load %arg10[%parallel_loop3A_305, %parallel_loop3A_306] {strides = array<i32>} : memref<8x2048xf32, #tpu.memory_space<vmem>>, vector<16xf32>,
        tpu.vector_store %arg10[%parallel_loop3A_305, %parallel_loop3A_306], %parallel_loop3A_299 {strides = array<i32>} : memref<8x2048xf32, #tpu.memory_space<vmem>>, vector<16xf32>,
        %parallel_loop3A_308 = tpu.vector_load_idx %arg8[%parallel_loop3A_280, %parallel_loop3A_281, %select_n3A_96] : memref<8x32x128xf32, #tpu.memory_space<vmem>>[vector<16xi32>, vector<16xi32>, vector<16xi32>], vector<16xf32>,
        %parallel_loop3A_309 = tpu.vector_load_idx %arg8[%parallel_loop3A_280, %parallel_loop3A_281, %min3A_80] : memref<8x32x128xf32, #tpu.memory_space<vmem>>[vector<16xi32>, vector<16xi32>, vector<16xi32>], vector<16xf32>,
        %parallel_loop3A_310 = arith.subf %parallel_loop3A_309, %parallel_loop3A_308 : vector<16xf32>
        %parallel_loop3A_311 = arith.mulf %div3A_107, %parallel_loop3A_310 : vector<16xf32>
        %parallel_loop3A_312 = arith.addf %parallel_loop3A_308, %parallel_loop3A_311 : vector<16xf32>
        %parallel_loop3A_313 = arith.constant 64 : i32
        %parallel_loop3A_314 = arith.muli %parallel_loop3A_279, %parallel_loop3A_313 : i32
        %parallel_loop3A_315 = arith.constant 32 : i32
        %parallel_loop3A_316 = arith.addi %parallel_loop3A_314, %parallel_loop3A_315 : i32
        %parallel_loop3A_317 = tpu.assume_multiple %parallel_loop3A_316, 16 : i32
        %parallel_loop3A_318 = arith.index_cast %parallel_loop3A_263 : i32 to index
        %parallel_loop3A_319 = arith.index_cast %parallel_loop3A_317 : i32 to index
        %parallel_loop3A_320 = tpu.vector_load %arg10[%parallel_loop3A_318, %parallel_loop3A_319] {strides = array<i32>} : memref<8x2048xf32, #tpu.memory_space<vmem>>, vector<16xf32>,
        tpu.vector_store %arg10[%parallel_loop3A_318, %parallel_loop3A_319], %parallel_loop3A_312 {strides = array<i32>} : memref<8x2048xf32, #tpu.memory_space<vmem>>, vector<16xf32>,
        %parallel_loop3A_321 = tpu.vector_load_idx %arg8[%parallel_loop3A_280, %parallel_loop3A_281, %select_n3A_136] : memref<8x32x128xf32, #tpu.memory_space<vmem>>[vector<16xi32>, vector<16xi32>, vector<16xi32>], vector<16xf32>,
        %parallel_loop3A_322 = tpu.vector_load_idx %arg8[%parallel_loop3A_280, %parallel_loop3A_281, %min3A_120] : memref<8x32x128xf32, #tpu.memory_space<vmem>>[vector<16xi32>, vector<16xi32>, vector<16xi32>], vector<16xf32>,
        %parallel_loop3A_323 = arith.subf %parallel_loop3A_322, %parallel_loop3A_321 : vector<16xf32>
        %parallel_loop3A_324 = arith.mulf %div3A_147, %parallel_loop3A_323 : vector<16xf32>
        %parallel_loop3A_325 = arith.addf %parallel_loop3A_321, %parallel_loop3A_324 : vector<16xf32>
        %parallel_loop3A_326 = arith.constant 64 : i32
        %parallel_loop3A_327 = arith.muli %parallel_loop3A_279, %parallel_loop3A_326 : i32
        %parallel_loop3A_328 = arith.constant 48 : i32
        %parallel_loop3A_329 = arith.addi %parallel_loop3A_327, %parallel_loop3A_328 : i32
        %parallel_loop3A_330 = tpu.assume_multiple %parallel_loop3A_329, 16 : i32
        %parallel_loop3A_331 = arith.index_cast %parallel_loop3A_263 : i32 to index
        %parallel_loop3A_332 = arith.index_cast %parallel_loop3A_330 : i32 to index
        %parallel_loop3A_333 = tpu.vector_load %arg10[%parallel_loop3A_331, %parallel_loop3A_332] {strides = array<i32>} : memref<8x2048xf32, #tpu.memory_space<vmem>>, vector<16xf32>,
        tpu.vector_store %arg10[%parallel_loop3A_331, %parallel_loop3A_332], %parallel_loop3A_325 {strides = array<i32>} : memref<8x2048xf32, #tpu.memory_space<vmem>>, vector<16xf32>,
      } {sc.loop_unroll_factor = 8 : i64, sc.parallel_access}
      %mul3A_197 = arith.constant 8 : i32
      %mul3A_198 = arith.muli %add3A_186, %mul3A_197 : i32
      %add3A_199 = arith.addi %mul3A_149, %mul3A_198 : i32
      %dma_start3A_200 = arith.constant 0 : i32
      %dma_start3A_201 = tpu.memref_slice %arg5[%add3A_199, %dma_start3A_200] : memref<8192x2048xf32, #tpu.memory_space<hbm>> -> memref<8x2048xf32, #tpu.memory_space<hbm>>
      %dma_start3A_202 = arith.constant 0 : i32
      %dma_start3A_203 = tpu.memref_slice %arg5[%add3A_199, %dma_start3A_202] : memref<8192x2048xf32, #tpu.memory_space<hbm>> -> memref<8x2048xf32, #tpu.memory_space<hbm>>
      tpu.enqueue_dma source(%arg10 : memref<8x2048xf32, #tpu.memory_space<vmem>>) target(%dma_start3A_203 : memref<8x2048xf32, #tpu.memory_space<hbm>>) target_semaphore(%arg14 : memref<!tpu.dma_semaphore, #tpu.memory_space<semaphore_mem>>)
      %lt3A_204 = arith.constant 32 : i32
      %lt3A_205 = arith.cmpi slt, %add3A_188, %lt3A_204 : i32
      %convert_element_type3A_206 = arith.extui %lt3A_205 : i1 to i32
      %cond3A_207 = arith.constant 0 : i32
      %cond3A_208 = arith.cmpi ne, %convert_element_type3A_206, %cond3A_207 : i32
      scf.if %cond3A_208 {
        %dma_wait3A_239 = arith.constant 0 : i32
        %dma_wait3A_240 = arith.constant 0 : i32
        %dma_wait3A_241 = arith.constant 0 : i32
        %dma_wait3A_242 = tpu.memref_slice %arg4[%dma_wait3A_239, %dma_wait3A_240, %dma_wait3A_241] : memref<8192x32x128xf32, #tpu.memory_space<hbm>> -> memref<8x32x128xf32, #tpu.memory_space<hbm>>
        %dma_wait3A_243 = arith.constant 0 : i32
        %dma_wait3A_244 = arith.constant 0 : i32
        %dma_wait3A_245 = arith.constant 0 : i32
        %dma_wait3A_246 = tpu.memref_slice %arg4[%dma_wait3A_243, %dma_wait3A_244, %dma_wait3A_245] : memref<8192x32x128xf32, #tpu.memory_space<hbm>> -> memref<8x32x128xf32, #tpu.memory_space<hbm>>
        tpu.wait_dma2 semaphore(%arg13 : memref<!tpu.dma_semaphore, #tpu.memory_space<semaphore_mem>>) src(%dma_wait3A_246 : memref<8x32x128xf32, #tpu.memory_space<hbm>>) dst(%arg9 : memref<8x32x128xf32, #tpu.memory_space<vmem>>)
      } else {
      }
      %add3A_209 = arith.constant 1 : i32
      %add3A_210 = arith.addi %mul3A_184, %add3A_209 : i32
      %add3A_211 = arith.constant 1 : i32
      %add3A_212 = arith.addi %add3A_210, %add3A_211 : i32
      %lt3A_213 = arith.constant 32 : i32
      %lt3A_214 = arith.cmpi slt, %add3A_212, %lt3A_213 : i32
      %convert_element_type3A_215 = arith.extui %lt3A_214 : i1 to i32
      %cond3A_216 = arith.constant 0 : i32
      %cond3A_217 = arith.cmpi ne, %convert_element_type3A_215, %cond3A_216 : i32
      scf.if %cond3A_217 {
        %mul3A_239 = arith.constant 8 : i32
        %mul3A_240 = arith.muli %add3A_212, %mul3A_239 : i32
        %add3A_241 = arith.addi %mul3A_149, %mul3A_240 : i32
        %dma_start3A_242 = arith.constant 0 : i32
        %dma_start3A_243 = arith.constant 0 : i32
        %dma_start3A_244 = tpu.memref_slice %arg4[%add3A_241, %dma_start3A_242, %dma_start3A_243] : memref<8192x32x128xf32, #tpu.memory_space<hbm>> -> memref<8x32x128xf32, #tpu.memory_space<hbm>>
        %dma_start3A_245 = arith.constant 0 : i32
        %dma_start3A_246 = arith.constant 0 : i32
        %dma_start3A_247 = tpu.memref_slice %arg4[%add3A_241, %dma_start3A_245, %dma_start3A_246] : memref<8192x32x128xf32, #tpu.memory_space<hbm>> -> memref<8x32x128xf32, #tpu.memory_space<hbm>>
        tpu.enqueue_dma source(%dma_start3A_247 : memref<8x32x128xf32, #tpu.memory_space<hbm>>) target(%arg8 : memref<8x32x128xf32, #tpu.memory_space<vmem>>) target_semaphore(%arg12 : memref<!tpu.dma_semaphore, #tpu.memory_space<semaphore_mem>>)
      } else {
      }
      %ge3A_218 = arith.constant 2 : i32
      %ge3A_219 = arith.cmpi sge, %add3A_210, %ge3A_218 : i32
      %convert_element_type3A_220 = arith.extui %ge3A_219 : i1 to i32
      %cond3A_221 = arith.constant 0 : i32
      %cond3A_222 = arith.cmpi ne, %convert_element_type3A_220, %cond3A_221 : i32
      scf.if %cond3A_222 {
        %dma_wait3A_239 = arith.constant 0 : i32
        %dma_wait3A_240 = arith.constant 0 : i32
        %dma_wait3A_241 = tpu.memref_slice %arg5[%dma_wait3A_239, %dma_wait3A_240] : memref<8192x2048xf32, #tpu.memory_space<hbm>> -> memref<8x2048xf32, #tpu.memory_space<hbm>>
        %dma_wait3A_242 = arith.constant 0 : i32
        %dma_wait3A_243 = arith.constant 0 : i32
        %dma_wait3A_244 = tpu.memref_slice %arg5[%dma_wait3A_242, %dma_wait3A_243] : memref<8192x2048xf32, #tpu.memory_space<hbm>> -> memref<8x2048xf32, #tpu.memory_space<hbm>>
        tpu.wait_dma2 semaphore(%arg15 : memref<!tpu.dma_semaphore, #tpu.memory_space<semaphore_mem>>) src(%arg11 : memref<8x2048xf32, #tpu.memory_space<vmem>>) dst(%dma_wait3A_244 : memref<8x2048xf32, #tpu.memory_space<hbm>>)
      } else {
      }
      %parallel_loop3A_223 = arith.constant 0 : i32
      %parallel_loop3A_224 = arith.constant 256 : i32
      %parallel_loop3A_225 = arith.constant 1 : i32
      scf.for %parallel_loop3A_239 = %parallel_loop3A_223 to %parallel_loop3A_224 step %parallel_loop3A_225  : i32 {
        %parallel_loop3A_240 = arith.constant 32 : i32
        %parallel_loop3A_241 = arith.divsi %parallel_loop3A_239, %parallel_loop3A_240 : i32
        %parallel_loop3A_242 = arith.constant 0 : i32
        %parallel_loop3A_243 = arith.cmpi sgt, %parallel_loop3A_239, %parallel_loop3A_242 : i32
        %parallel_loop3A_244 = arith.extui %parallel_loop3A_243 : i1 to i32
        %parallel_loop3A_245 = arith.constant 0 : i32
        %parallel_loop3A_246 = arith.cmpi slt, %parallel_loop3A_239, %parallel_loop3A_245 : i32
        %parallel_loop3A_247 = arith.extui %parallel_loop3A_246 : i1 to i32
        %parallel_loop3A_248 = arith.subi %parallel_loop3A_244, %parallel_loop3A_247 : i32
        %parallel_loop3A_249 = arith.constant 0 : i32
        %parallel_loop3A_250 = arith.cmpi sgt, %parallel_loop3A_240, %parallel_loop3A_249 : i32
        %parallel_loop3A_251 = arith.extui %parallel_loop3A_250 : i1 to i32
        %parallel_loop3A_252 = arith.constant 0 : i32
        %parallel_loop3A_253 = arith.cmpi slt, %parallel_loop3A_240, %parallel_loop3A_252 : i32
        %parallel_loop3A_254 = arith.extui %parallel_loop3A_253 : i1 to i32
        %parallel_loop3A_255 = arith.subi %parallel_loop3A_251, %parallel_loop3A_254 : i32
        %parallel_loop3A_256 = arith.cmpi ne, %parallel_loop3A_248, %parallel_loop3A_255 : i32
        %parallel_loop3A_257 = arith.remsi %parallel_loop3A_239, %parallel_loop3A_240 : i32
        %parallel_loop3A_258 = arith.constant 0 : i32
        %parallel_loop3A_259 = arith.cmpi ne, %parallel_loop3A_257, %parallel_loop3A_258 : i32
        %parallel_loop3A_260 = arith.andi %parallel_loop3A_256, %parallel_loop3A_259 : i1
        %parallel_loop3A_261 = arith.constant 1 : i32
        %parallel_loop3A_262 = arith.subi %parallel_loop3A_241, %parallel_loop3A_261 : i32
        %parallel_loop3A_263 = arith.select %parallel_loop3A_260, %parallel_loop3A_262, %parallel_loop3A_241 : i32
        %parallel_loop3A_264 = arith.constant 32 : i32
        %parallel_loop3A_265 = arith.constant 0 : i32
        %parallel_loop3A_266 = arith.cmpi eq, %parallel_loop3A_264, %parallel_loop3A_265 : i32
        %parallel_loop3A_267 = arith.constant 1 : i32
        %parallel_loop3A_268 = arith.select %parallel_loop3A_266, %parallel_loop3A_267, %parallel_loop3A_264 : i32
        %parallel_loop3A_269 = arith.remsi %parallel_loop3A_239, %parallel_loop3A_268 : i32
        %parallel_loop3A_270 = arith.constant 0 : i32
        %parallel_loop3A_271 = arith.cmpi ne, %parallel_loop3A_269, %parallel_loop3A_270 : i32
        %parallel_loop3A_272 = arith.constant 0 : i32
        %parallel_loop3A_273 = arith.cmpi slt, %parallel_loop3A_269, %parallel_loop3A_272 : i32
        %parallel_loop3A_274 = arith.constant 0 : i32
        %parallel_loop3A_275 = arith.cmpi slt, %parallel_loop3A_268, %parallel_loop3A_274 : i32
        %parallel_loop3A_276 = arith.xori %parallel_loop3A_273, %parallel_loop3A_275 : i1
        %parallel_loop3A_277 = arith.andi %parallel_loop3A_276, %parallel_loop3A_271 : i1
        %parallel_loop3A_278 = arith.addi %parallel_loop3A_269, %parallel_loop3A_268 : i32
        %parallel_loop3A_279 = arith.select %parallel_loop3A_277, %parallel_loop3A_278, %parallel_loop3A_269 : i32
        %parallel_loop3A_280 = vector.broadcast %parallel_loop3A_263 : i32 to vector<16xi32>
        %parallel_loop3A_281 = vector.broadcast %parallel_loop3A_279 : i32 to vector<16xi32>
        %parallel_loop3A_282 = tpu.vector_load_idx %arg9[%parallel_loop3A_280, %parallel_loop3A_281, %select_n3A] : memref<8x32x128xf32, #tpu.memory_space<vmem>>[vector<16xi32>, vector<16xi32>, vector<16xi32>], vector<16xf32>,
        %parallel_loop3A_283 = tpu.vector_load_idx %arg9[%parallel_loop3A_280, %parallel_loop3A_281, %min3A_9] : memref<8x32x128xf32, #tpu.memory_space<vmem>>[vector<16xi32>, vector<16xi32>, vector<16xi32>], vector<16xf32>,
        %parallel_loop3A_284 = arith.subf %parallel_loop3A_283, %parallel_loop3A_282 : vector<16xf32>
        %parallel_loop3A_285 = arith.mulf %div3A, %parallel_loop3A_284 : vector<16xf32>
        %parallel_loop3A_286 = arith.addf %parallel_loop3A_282, %parallel_loop3A_285 : vector<16xf32>
        %parallel_loop3A_287 = arith.constant 64 : i32
        %parallel_loop3A_288 = arith.muli %parallel_loop3A_279, %parallel_loop3A_287 : i32
        %parallel_loop3A_289 = arith.constant 0 : i32
        %parallel_loop3A_290 = arith.addi %parallel_loop3A_288, %parallel_loop3A_289 : i32
        %parallel_loop3A_291 = tpu.assume_multiple %parallel_loop3A_290, 16 : i32
        %parallel_loop3A_292 = arith.index_cast %parallel_loop3A_263 : i32 to index
        %parallel_loop3A_293 = arith.index_cast %parallel_loop3A_291 : i32 to index
        %parallel_loop3A_294 = tpu.vector_load %arg11[%parallel_loop3A_292, %parallel_loop3A_293] {strides = array<i32>} : memref<8x2048xf32, #tpu.memory_space<vmem>>, vector<16xf32>,
        tpu.vector_store %arg11[%parallel_loop3A_292, %parallel_loop3A_293], %parallel_loop3A_286 {strides = array<i32>} : memref<8x2048xf32, #tpu.memory_space<vmem>>, vector<16xf32>,
        %parallel_loop3A_295 = tpu.vector_load_idx %arg9[%parallel_loop3A_280, %parallel_loop3A_281, %select_n3A_56] : memref<8x32x128xf32, #tpu.memory_space<vmem>>[vector<16xi32>, vector<16xi32>, vector<16xi32>], vector<16xf32>,
        %parallel_loop3A_296 = tpu.vector_load_idx %arg9[%parallel_loop3A_280, %parallel_loop3A_281, %min3A_40] : memref<8x32x128xf32, #tpu.memory_space<vmem>>[vector<16xi32>, vector<16xi32>, vector<16xi32>], vector<16xf32>,
        %parallel_loop3A_297 = arith.subf %parallel_loop3A_296, %parallel_loop3A_295 : vector<16xf32>
        %parallel_loop3A_298 = arith.mulf %div3A_67, %parallel_loop3A_297 : vector<16xf32>
        %parallel_loop3A_299 = arith.addf %parallel_loop3A_295, %parallel_loop3A_298 : vector<16xf32>
        %parallel_loop3A_300 = arith.constant 64 : i32
        %parallel_loop3A_301 = arith.muli %parallel_loop3A_279, %parallel_loop3A_300 : i32
        %parallel_loop3A_302 = arith.constant 16 : i32
        %parallel_loop3A_303 = arith.addi %parallel_loop3A_301, %parallel_loop3A_302 : i32
        %parallel_loop3A_304 = tpu.assume_multiple %parallel_loop3A_303, 16 : i32
        %parallel_loop3A_305 = arith.index_cast %parallel_loop3A_263 : i32 to index
        %parallel_loop3A_306 = arith.index_cast %parallel_loop3A_304 : i32 to index
        %parallel_loop3A_307 = tpu.vector_load %arg11[%parallel_loop3A_305, %parallel_loop3A_306] {strides = array<i32>} : memref<8x2048xf32, #tpu.memory_space<vmem>>, vector<16xf32>,
        tpu.vector_store %arg11[%parallel_loop3A_305, %parallel_loop3A_306], %parallel_loop3A_299 {strides = array<i32>} : memref<8x2048xf32, #tpu.memory_space<vmem>>, vector<16xf32>,
        %parallel_loop3A_308 = tpu.vector_load_idx %arg9[%parallel_loop3A_280, %parallel_loop3A_281, %select_n3A_96] : memref<8x32x128xf32, #tpu.memory_space<vmem>>[vector<16xi32>, vector<16xi32>, vector<16xi32>], vector<16xf32>,
        %parallel_loop3A_309 = tpu.vector_load_idx %arg9[%parallel_loop3A_280, %parallel_loop3A_281, %min3A_80] : memref<8x32x128xf32, #tpu.memory_space<vmem>>[vector<16xi32>, vector<16xi32>, vector<16xi32>], vector<16xf32>,
        %parallel_loop3A_310 = arith.subf %parallel_loop3A_309, %parallel_loop3A_308 : vector<16xf32>
        %parallel_loop3A_311 = arith.mulf %div3A_107, %parallel_loop3A_310 : vector<16xf32>
        %parallel_loop3A_312 = arith.addf %parallel_loop3A_308, %parallel_loop3A_311 : vector<16xf32>
        %parallel_loop3A_313 = arith.constant 64 : i32
        %parallel_loop3A_314 = arith.muli %parallel_loop3A_279, %parallel_loop3A_313 : i32
        %parallel_loop3A_315 = arith.constant 32 : i32
        %parallel_loop3A_316 = arith.addi %parallel_loop3A_314, %parallel_loop3A_315 : i32
        %parallel_loop3A_317 = tpu.assume_multiple %parallel_loop3A_316, 16 : i32
        %parallel_loop3A_318 = arith.index_cast %parallel_loop3A_263 : i32 to index
        %parallel_loop3A_319 = arith.index_cast %parallel_loop3A_317 : i32 to index
        %parallel_loop3A_320 = tpu.vector_load %arg11[%parallel_loop3A_318, %parallel_loop3A_319] {strides = array<i32>} : memref<8x2048xf32, #tpu.memory_space<vmem>>, vector<16xf32>,
        tpu.vector_store %arg11[%parallel_loop3A_318, %parallel_loop3A_319], %parallel_loop3A_312 {strides = array<i32>} : memref<8x2048xf32, #tpu.memory_space<vmem>>, vector<16xf32>,
        %parallel_loop3A_321 = tpu.vector_load_idx %arg9[%parallel_loop3A_280, %parallel_loop3A_281, %select_n3A_136] : memref<8x32x128xf32, #tpu.memory_space<vmem>>[vector<16xi32>, vector<16xi32>, vector<16xi32>], vector<16xf32>,
        %parallel_loop3A_322 = tpu.vector_load_idx %arg9[%parallel_loop3A_280, %parallel_loop3A_281, %min3A_120] : memref<8x32x128xf32, #tpu.memory_space<vmem>>[vector<16xi32>, vector<16xi32>, vector<16xi32>], vector<16xf32>,
        %parallel_loop3A_323 = arith.subf %parallel_loop3A_322, %parallel_loop3A_321 : vector<16xf32>
        %parallel_loop3A_324 = arith.mulf %div3A_147, %parallel_loop3A_323 : vector<16xf32>
        %parallel_loop3A_325 = arith.addf %parallel_loop3A_321, %parallel_loop3A_324 : vector<16xf32>
        %parallel_loop3A_326 = arith.constant 64 : i32
        %parallel_loop3A_327 = arith.muli %parallel_loop3A_279, %parallel_loop3A_326 : i32
        %parallel_loop3A_328 = arith.constant 48 : i32
        %parallel_loop3A_329 = arith.addi %parallel_loop3A_327, %parallel_loop3A_328 : i32
        %parallel_loop3A_330 = tpu.assume_multiple %parallel_loop3A_329, 16 : i32
        %parallel_loop3A_331 = arith.index_cast %parallel_loop3A_263 : i32 to index
        %parallel_loop3A_332 = arith.index_cast %parallel_loop3A_330 : i32 to index
        %parallel_loop3A_333 = tpu.vector_load %arg11[%parallel_loop3A_331, %parallel_loop3A_332] {strides = array<i32>} : memref<8x2048xf32, #tpu.memory_space<vmem>>, vector<16xf32>,
        tpu.vector_store %arg11[%parallel_loop3A_331, %parallel_loop3A_332], %parallel_loop3A_325 {strides = array<i32>} : memref<8x2048xf32, #tpu.memory_space<vmem>>, vector<16xf32>,
      } {sc.loop_unroll_factor = 8 : i64, sc.parallel_access}
      %mul3A_226 = arith.constant 8 : i32
      %mul3A_227 = arith.muli %add3A_210, %mul3A_226 : i32
      %add3A_228 = arith.addi %mul3A_149, %mul3A_227 : i32
      %dma_start3A_229 = arith.constant 0 : i32
      %dma_start3A_230 = tpu.memref_slice %arg5[%add3A_228, %dma_start3A_229] : memref<8192x2048xf32, #tpu.memory_space<hbm>> -> memref<8x2048xf32, #tpu.memory_space<hbm>>
      %dma_start3A_231 = arith.constant 0 : i32
      %dma_start3A_232 = tpu.memref_slice %arg5[%add3A_228, %dma_start3A_231] : memref<8192x2048xf32, #tpu.memory_space<hbm>> -> memref<8x2048xf32, #tpu.memory_space<hbm>>
      tpu.enqueue_dma source(%arg11 : memref<8x2048xf32, #tpu.memory_space<vmem>>) target(%dma_start3A_232 : memref<8x2048xf32, #tpu.memory_space<hbm>>) target_semaphore(%arg15 : memref<!tpu.dma_semaphore, #tpu.memory_space<semaphore_mem>>)
      %lt3A_233 = arith.constant 32 : i32
      %lt3A_234 = arith.cmpi slt, %add3A_212, %lt3A_233 : i32
      %convert_element_type3A_235 = arith.extui %lt3A_234 : i1 to i32
      %cond3A_236 = arith.constant 0 : i32
      %cond3A_237 = arith.cmpi ne, %convert_element_type3A_235, %cond3A_236 : i32
      scf.if %cond3A_237 {
        %dma_wait3A_239 = arith.constant 0 : i32
        %dma_wait3A_240 = arith.constant 0 : i32
        %dma_wait3A_241 = arith.constant 0 : i32
        %dma_wait3A_242 = tpu.memref_slice %arg4[%dma_wait3A_239, %dma_wait3A_240, %dma_wait3A_241] : memref<8192x32x128xf32, #tpu.memory_space<hbm>> -> memref<8x32x128xf32, #tpu.memory_space<hbm>>
        %dma_wait3A_243 = arith.constant 0 : i32
        %dma_wait3A_244 = arith.constant 0 : i32
        %dma_wait3A_245 = arith.constant 0 : i32
        %dma_wait3A_246 = tpu.memref_slice %arg4[%dma_wait3A_243, %dma_wait3A_244, %dma_wait3A_245] : memref<8192x32x128xf32, #tpu.memory_space<hbm>> -> memref<8x32x128xf32, #tpu.memory_space<hbm>>
        tpu.wait_dma2 semaphore(%arg12 : memref<!tpu.dma_semaphore, #tpu.memory_space<semaphore_mem>>) src(%dma_wait3A_246 : memref<8x32x128xf32, #tpu.memory_space<hbm>>) dst(%arg8 : memref<8x32x128xf32, #tpu.memory_space<vmem>>)
      } else {
      }
      %scan3A_238 = arith.constant 0 : i32
      scf.yield %scan3A_238 : i32
    }
    %scan3A_168 = arith.constant 16 : i32
    %dma_wait3A_169 = arith.constant 0 : i32
    %dma_wait3A_170 = arith.constant 0 : i32
    %dma_wait3A_171 = tpu.memref_slice %arg5[%dma_wait3A_169, %dma_wait3A_170] : memref<8192x2048xf32, #tpu.memory_space<hbm>> -> memref<8x2048xf32, #tpu.memory_space<hbm>>
    %dma_wait3A_172 = arith.constant 0 : i32
    %dma_wait3A_173 = arith.constant 0 : i32
    %dma_wait3A_174 = tpu.memref_slice %arg5[%dma_wait3A_172, %dma_wait3A_173] : memref<8192x2048xf32, #tpu.memory_space<hbm>> -> memref<8x2048xf32, #tpu.memory_space<hbm>>
    tpu.wait_dma2 semaphore(%arg14 : memref<!tpu.dma_semaphore, #tpu.memory_space<semaphore_mem>>) src(%arg10 : memref<8x2048xf32, #tpu.memory_space<vmem>>) dst(%dma_wait3A_174 : memref<8x2048xf32, #tpu.memory_space<hbm>>)
    %dma_wait3A_175 = arith.constant 0 : i32
    %dma_wait3A_176 = arith.constant 0 : i32
    %dma_wait3A_177 = tpu.memref_slice %arg5[%dma_wait3A_175, %dma_wait3A_176] : memref<8192x2048xf32, #tpu.memory_space<hbm>> -> memref<8x2048xf32, #tpu.memory_space<hbm>>
    %dma_wait3A_178 = arith.constant 0 : i32
    %dma_wait3A_179 = arith.constant 0 : i32
    %dma_wait3A_180 = tpu.memref_slice %arg5[%dma_wait3A_178, %dma_wait3A_179] : memref<8192x2048xf32, #tpu.memory_space<hbm>> -> memref<8x2048xf32, #tpu.memory_space<hbm>>
    tpu.wait_dma2 semaphore(%arg15 : memref<!tpu.dma_semaphore, #tpu.memory_space<semaphore_mem>>) src(%arg11 : memref<8x2048xf32, #tpu.memory_space<vmem>>) dst(%dma_wait3A_180 : memref<8x2048xf32, #tpu.memory_space<hbm>>)
    return
  }
}

</mosaic_0001>

<sc_bundles>
// kernel: kernel.3.cloned.1.call-start
scs
__scs_entry_jumppad:
0x0: {  	(pc) =	sbr.rel $0x88, $3  }
0x1: {  	(tag) =	ssettag $0x0;
	lr =	simm.s32 $0x1  }
0x2: {  	[smem:$0x3F9E] =	sst lr;
	_ =	strace $0xD0000000  }
0x3: {  	_ = 	snop  }
0x4: {  	_ = 	snop  }
0x5: {  	_ = 	snop  }
0x6: {  	_ = 	snop  }
0x7: {  	_ = 	snop  }
__scs_overlays_trampoline_lowered:
0x8: {  	[smem:$0x3FAD] =	sst s0  }
0x9: {  	[smem:$0x3FAE] =	sst s1  }
0xa: {  	[smem:$0x3FAF] =	sst s2  }
0xb: {  	[smem:$0x3FB0] =	sst s3  }
0xc: {  	[smem:$0x3FB1] =	sst s4  }
0xd: {  	[smem:$0x3FB2] =	sst s5  }
0xe: {  	[smem:$0x3FB3] =	sst s6  }
0xf: {  	[smem:$0x3FB4] =	sst s7  }
0x10: {  	[smem:$0x3FB5] =	sst s8  }
0x11: {  	[smem:$0x3FB6] =	sst s9;
	s0 =	simm.s32 @!p0 $0x0  }
0x12: {  	s1 =	sld [smem:$0x3F9C];
	s0 =	simm.s32 @p0 $0x1  }
0x13: {  	[smem:$0x3FB7] =	sst s0;
	s0 =	simm.s32 @!p1 $0x0  }
0x14: {  	s2 =	sld [smem:$0x3F9B];
	s0 =	simm.s32 @p1 $0x1  }
0x15: {  	[smem:$0x3FB8] =	sst s0;
	s0 =	simm.s32 @!p2 $0x0  }
0x16: {  	s3 =	sld [smem:$0x3FDB];
	s0 =	simm.s32 @p2 $0x1  }
0x17: {  	s4 =	simm.s32 $0x1BF5;
	[smem:$0x3FBA] =	sst s0  }
0x18: {  	s0 =	sld [smem:$0x3F9D];
	_ =	swait.ge [sflag:s4], $0x0  }
0x19: {  	s7 =	sld [smem:$0x3F9E]  }
0x1a: {  	s8 =	sadd.s32 $0xFFFFE003, lr  }
0x1b: {  	s9 =	sadd.s32 $0xFFFFFEF7, lr;
	s5 =	simm.s32 $0xFFFFFFFF;
	p2 =	slt.u32 s8, $0xFFFFF086  }
0x1c: {  	p1 =	slt.u32 s9, $0xF7A;
	s5 =	simm.s32 @!p2 $0x0  }
0x1d: {  	s5 =	simm.s32 @p1 $0x1;
	p0 =	seq.s32 s7, s2  }
0x1e: {  	s7 =	smul.u32 @!p0 $0xF7A, s2;
	p2 =	seq.s32 @!p0 s5, $0x0  }
0x1f: {  	s9 =	smul.u32 $0xF7A, s1;
	s8 =	simm.s32 @!p0 $0x1BF5;
	p2 =	por !p2, p0  }
0x20: {  	[sflag:s8] =	ssyncset.s32 @!p0 $0xFFFFF086;
	s6 =	sadd.s32 @!p0 s3, s7;
	s7 =	simm.s32 @!p0 $0x108  }
0x21: {  	s3 =	sadd.s32 s3, s9;
	s6 =	sadd.s32 @!p0 $0x88, s6;
	s7 =	simm.s32 @p2 $0x1082  }
0x22: {  	[simem:s7], [sflag:s8] =	dma.local @!p0 [hbm:s6], $0xF7A  }
0x23: {  	s9 =	sor.u32 $0xD0000000, s2;
	s6 =	simm.s32 $0x108;
	_ =	swait.ge @!p0 [sflag:s8], $0x0  }
0x24: {  	s3 =	sadd.s32 $0x88, s3;
	s6 =	simm.s32 @!p1 $0x1082;
	[sflag:s4] =	ssyncset.s32 $0xFFFFF086  }
0x25: {  	[simem:s6], [sflag:s4] =	dma.local [hbm:s3], $0xF7A  }
0x26: {  	[smem:$0x3F9E] =	sst s1;
	(tag) =	ssettag s2;
	_ =	strace s9  }
0x27: {  	s1 =	sld [smem:$0x3FAE]  }
0x28: {  	s2 =	sld [smem:$0x3FAF]  }
0x29: {  	s4 =	sld [smem:$0x3FB1]  }
0x2a: {  	p0 =	seq.s32 s5, $0x0;
	s5 =	sld [smem:$0x3FB2]  }
0x2b: {  	s6 =	sld [smem:$0x3FB3]  }
0x2c: {  	s7 =	sld [smem:$0x3FB4]  }
0x2d: {  	s3 =	simm.s32 $0x108;
	s8 =	sld [smem:$0x3FB5]  }
0x2e: {  	s3 =	simm.s32 @!p0 $0x1082;
	s9 =	sld [smem:$0x3FB6]  }
0x2f: {  	lr =	sadd.s32 s0, s3;
	s0 =	sld [smem:$0x3FAD]  }
0x30: {  	s3 =	sld [smem:$0x3FB0]  }
0x31: {  	[smem:$0x3FB9] =	sst s10  }
0x32: {  	s10 =	sld [smem:$0x3FB7];
	_ =	sdelay $0x3  }
0x33: {  	p0 =	seq.s32 s10, $0x1;
	s10 =	sld [smem:$0x3FB9];
	_ =	sdelay $0x3  }
0x34: {  	[smem:$0x3FB9] =	sst s10  }
0x35: {  	s10 =	sld [smem:$0x3FB8];
	_ =	sdelay $0x3  }
0x36: {  	p1 =	seq.s32 s10, $0x1;
	s10 =	sld [smem:$0x3FB9];
	_ =	sdelay $0x3  }
0x37: {  	[smem:$0x3FB9] =	sst s10  }
0x38: {  	s10 =	sld [smem:$0x3FBA]  }
0x39: {  	_ = 	snop;
	(pc) =	sbr.ind lr, $3  }
0x3a: {  	_ = 	snop  }
0x3b: {  	_ = 	snop  }
0x3c: {  	p2 =	seq.s32 s10, $0x1;
	s10 =	sld [smem:$0x3FB9]  }
0x3d: {  	_ =	shalt  }
0x3e: {  	_ =	shalt  }
0x3f: {  	_ =	shalt  }
0x40: {  	_ =	shalt  }
0x41: {  	_ =	shalt  }
0x42: {  	_ =	shalt  }
0x43: {  	_ =	shalt  }
0x44: {  	_ =	shalt  }
0x45: {  	_ =	shalt  }
0x46: {  	_ =	shalt  }
0x47: {  	_ =	shalt  }
0x48: {  	_ =	shalt  }
0x49: {  	_ =	shalt  }
0x4a: {  	_ =	shalt  }
0x4b: {  	_ =	shalt  }
0x4c: {  	_ =	shalt  }
0x4d: {  	_ =	shalt  }
0x4e: {  	_ =	shalt  }
0x4f: {  	_ =	shalt  }
0x50: {  	_ =	shalt  }
0x51: {  	_ =	shalt  }
0x52: {  	_ =	shalt  }
0x53: {  	_ =	shalt  }
0x54: {  	_ =	shalt  }
0x55: {  	_ =	shalt  }
0x56: {  	_ =	shalt  }
0x57: {  	_ =	shalt  }
0x58: {  	_ =	shalt  }
0x59: {  	_ =	shalt  }
0x5a: {  	_ =	shalt  }
0x5b: {  	_ =	shalt  }
0x5c: {  	_ =	shalt  }
0x5d: {  	_ =	shalt  }
0x5e: {  	_ =	shalt  }
0x5f: {  	_ =	shalt  }
0x60: {  	_ =	shalt  }
0x61: {  	_ =	shalt  }
0x62: {  	_ =	shalt  }
0x63: {  	_ =	shalt  }
0x64: {  	_ =	shalt  }
0x65: {  	_ =	shalt  }
0x66: {  	_ =	shalt  }
0x67: {  	_ =	shalt  }
0x68: {  	_ =	shalt  }
0x69: {  	_ =	shalt  }
0x6a: {  	_ =	shalt  }
0x6b: {  	_ =	shalt  }
0x6c: {  	_ =	shalt  }
0x6d: {  	_ =	shalt  }
0x6e: {  	_ =	shalt  }
0x6f: {  	_ =	shalt  }
0x70: {  	_ =	shalt  }
0x71: {  	_ =	shalt  }
0x72: {  	_ =	shalt  }
0x73: {  	_ =	shalt  }
0x74: {  	_ =	shalt  }
0x75: {  	_ =	shalt  }
0x76: {  	_ =	shalt  }
0x77: {  	_ =	shalt  }
0x78: {  	_ =	shalt  }
0x79: {  	_ =	shalt  }
0x7a: {  	_ =	shalt  }
0x7b: {  	_ =	shalt  }
0x7c: {  	_ =	shalt  }
0x7d: {  	_ =	shalt  }
0x7e: {  	_ =	shalt  }
0x7f: {  	_ =	shalt  }
0x80: {  	_ =	shalt  }
0x81: {  	_ =	shalt  }
0x82: {  	_ =	shalt  }
0x83: {  	_ =	shalt  }
0x84: {  	_ =	shalt  }
0x85: {  	_ =	shalt  }
0x86: {  	_ =	shalt  }
0x87: {  	_ =	shalt  }
.Lfunc_end0:
.L_simem_size_0:
called_computation.1_lowered:
.L_overlay_start_0:
0x88: {  	s2 =	sld [smem:$0x3FD9]  }
0x89: {  	s3 =	sld [smem:$0x3FFE];
	_ =	sdelay $0x1  }
0x8a: {  	s1 =	srdreg.scid  }
0x8b: {  	s0 =	sand.u32 $0x1, s1  }
0x8c: {  	s17 =	sshll.u32 s0, $0xA;
	s2 =	sadd.s32 s3, s2  }
0x8d: {  	s2 =	sadd.s32 s2, s17  }
0x8e: {  	[smem:$0x3FC5] =	sst s2  }
0x8f: {  	_ = 	snop  }
0x90: {  	s2 =	sld [smem:$0x3FC9]  }
0x91: {  	s18 =	sld [smem:$0x3FC8]  }
0x92: {  	s4 =	sld [smem:$0x3FC7];
	(tm) =	ssettm $0x1  }
0x93: {  	s5 =	sld [smem:$0x3FFB];
	_ =	sdelay $0x3  }
0x94: {  	_ =	strace s5  }
0x95: {  	s5 =	sld [smem:$0x3FFC];
	_ =	sdelay $0x3  }
0x96: {  	_ =	strace s5  }
0x97: {  	s5 =	sld [smem:$0x3FFD];
	_ =	sdelay $0x3  }
0x98: {  	_ =	strace s5  }
0x99: {  	_ =	strace $0x8FFFFFFF  }
0x9a: {  	s19 =	sld [smem:$0x3FDB];
	_ =	sdelay $0x1  }
0x9b: {  	s6 =	simm.s32 $_scs_section_size  }
0x9c: {  	s7 =	simm.s32 $_size__tile_overlayer_lowered;
	s8 =	simm.s32 $_tile_overlayer_lowered  }
0x9d: {  	s22 =	simm.s32 $0x1BFF;
	s21 =	sshll.u32 s8, $0x1;
	s5 =	sadd.s32 s6, s19  }
0x9e: {  	s9 =	simm.s32 $0x0;
	s20 =	sshll.u32 s7, $0x1;
	s7 =	sadd.s32 s21, s5  }
0x9f: {  	[timem:s9], [sflag:s22] =	dma.local [hbm:s7], s20  }
0xa0: {  	_ =	swait.ge [sflag:s22], s20  }
0xa1: {  	s6 =	ssub.s32 $0x0, s20;
	[sflag:s22] =	ssyncset.done $0x0  }
0xa2: {  	[sflag:s22] =	ssyncadd.s32 s6;
	_ =	sdelay $0x1  }
0xa3: {  	s23 =	simm.s32 $0x1B8B  }
0xa4: {  	_ =	swait.ge [sflag:s23], $0x1  }
0xa5: {  	[sflag:s23] =	ssyncset.done $0x0  }
0xa6: {  	s25 =	simm.s32 $0x1B8E;
	s24 =	sld [smem:$0x3FFE];
	[sflag:s23] =	ssyncadd.s32 $0xFFFFFFFF  }
0xa7: {  	s26 =	simm.s32 $execute0_lowered;
	[smem:$0x3FD2] =	sst s25  }
0xa8: {  	s7 =	sshll.u32 s26, $0x1;
	_ =	strace $0x80000046;
	[dreg:$0x1] =	wrdreg $0xFFFFFFFF  }
0xa9: {  	s28 =	simm.s32 $_size_execute0_lowered;
	s5 =	sadd.s32 s5, s7;
	[dreg:$0x0] =	wrdreg $0x0  }
0xaa: {  	s7 =	sshll.u32 s28, $0x1;
	[dreg:$0x2] =	wrdreg s5  }
0xab: {  	[dreg:$0x3] =	wrdreg s7  }
0xac: {  	[dreg:$0x4] =	wrdreg $0xC0  }
0xad: {  	_ =	task [dreg:s9], $0x5FFFF  }
0xae: {  	[dreg:$0x1] =	wrdreg $0xFFFFFFFF  }
0xaf: {  	[dreg:$0x0] =	wrdreg $0x60  }
0xb0: {  	[dreg:$0x2] =	wrdreg s2  }
0xb1: {  	[dreg:$0x3] =	wrdreg s4  }
0xb2: {  	[dreg:$0x4] =	wrdreg s18  }
0xb3: {  	[dreg:$0x5] =	wrdreg s24  }
0xb4: {  	[dreg:$0x6] =	wrdreg $0x9  }
0xb5: {  	_ =	task.clear_ibuf [dreg:s9], $0x7FFFF;
	_ =	strace $0x90000046  }
0xb6: {  	s29 =	simm.s32 $0x9;
	_ =	strace $0x80000048  }
0xb7: {  	_ =	swait.ge [sflag:s29], $0x1  }
0xb8: {  	[sflag:s29] =	ssyncadd.s32 $0xFFFFFFFF  }
0xb9: {  	_ =	strace $0x90000048  }
0xba: {  	_ =	sfence  }
0xbb: {  	s30 =	sld [smem:$0x0];
	_ =	sdelay $0x2  }
0xbc: {  	s31 =	sshll.u32 s1, $0xD;
	s1 =	sshrl.u32 s1, $0x2  }
0xbd: {  	s3 =	sand.u32 $0x4000, s31;
	s1 =	sadd.s32 s1, s30  }
0xbe: {  	s0 =	sor.u32 s3, s0;
	s1 =	sshll.u32 s1, $0x11  }
0xbf: {  	s0 =	sor.u32 s1, s0  }
0xc0: {  	s0 =	sadd.s32 $0x8F2B, s0  }
0xc1: {  	[sflag:s0] =	ssyncadd.remote.s32 $0x1  }
0xc2: {  	_ =	sfence.sel $0xFFFF  }
0xc3: {  	[dreg:$0x0] =	wrdreg $0xFFFFFFFF;
	(pc) =	sbr.abs _section_cstart, $3  }
0xc4: {  	[dreg:$0x1] =	wrdreg $0xFFFFFFFF  }
0xc5: {  	_ =	task.clear_ibuf [dreg:s9], $0x2FFFF;
	_ =	strace $0x9FFFFFFF  }
0xc6: {  	(tm) =	ssettm $0x7FFFFFFF  }
0xc7: {  	_ =	shalt  }
tec
execute0_lowered:
.L_overlay_start_1:
0x0: {  	(tag) =	ssettag $0x1  }
0x1: {  	s0 =	rddreg [dreg:$0x2]  }
0x2: {  	s1 =	rddreg [dreg:$0x3];
	s2 =	srdreg.scid;
	s4 =	simm.s32 $0x0  }
0x3: {  	s3 =	stileid.u32;
	s2 =	sand.u32 $0x1, s2;
	[smem:$0x7FF] =	sst s4  }
0x4: {  	s3 =	sshll.u32 s3, $0x9;
	s24 =	sadd.s32 $0x800, s1;
	s5 =	sshll.u32 s2, $0x8  }
0x5: {  	_ =	strace $0x80000047;
	s2 =	ssub.s32 $0x2, s2;
	s3 =	sor.u32 s5, s3  }
0x6: {  	[dreg:$0x5] =	wrdreg s24;
	s25 =	sshrl.u32 s2, $0x1;
	s5 =	sshll.u32 s3, $0x9  }
0x7: {  	s28 =	sshll.u32 s3, $0x8;
	s30 =	sshrl.u32 s3, $0x3;
	s26 =	sadd.s32 s0, s5  }
.Ltmp0:
0x8: {  	s0 =	sadd.s32 s24, s28;
	[dreg:$0x9] =	wrdreg s30;
	(pc) =	sbr.rel .LBB2_1-.Ltmp0, $4  }
0x9: {  	s1 =	ssub.s32 s2, s25;
	[dreg:$0x7] =	wrdreg s0  }
0xa: {  	s31 =	smax.u32 s1, $0x1;
	[dreg:$0x6] =	wrdreg s26  }
0xb: {  	s13 =	simm.s32 $0x100;
	s29 =	sadd.s32 $0x2000, s26;
	[dreg:$0xa] =	wrdreg s31  }
0xc: {  	s15 =	simm.s32 $0x8100;
	v0 =	vimm.s32 $0x0;
	s2 =	simm.s32 $0x0;
	[dreg:$0x8] =	wrdreg s29  }
.LBB2_16:
0xd: {  	s0 =	simm.s32 $0x3  }
0xe: {  	_ =	swait.ge [sflag:s0], $0x4000  }
0xf: {  	[sflag:s0] =	ssyncset.done $0x0  }
0x10: {  	s1 =	simm.s32 $0x4;
	[sflag:s0] =	ssyncadd.s32 $0xFFFFC000  }
0x11: {  	_ =	swait.ge [sflag:s1], $0x4000  }
0x12: {  	s2 =	rddreg [dreg:$0xb]  }
0x13: {  	s31 =	rddreg [dreg:$0xa];
	s2 =	sadd.s32 $0x1, s2  }
0x14: {  	p0 =	sne.s32 s2, s31  }
.Ltmp1:
0x15: {  	_ = 	snop;
	(pc) =	sbr.rel @!p0 .LBB2_17-.Ltmp1, $3  }
0x16: {  	_ =	sdelay $0x1  }
0x17: {  	[sflag:s1] =	ssyncset.done $0x0  }
0x18: {  	[sflag:s1] =	ssyncadd.s32 $0xFFFFC000  }
.LBB2_1:
0x19: {  	[dreg:$0xb] =	wrdreg s2  }
0x1a: {  	s0 =	rddreg [dreg:$0x0];
	s1 =	simm.s32 $0x0;
	s29 =	simm.s32 $0x5  }
0x1b: {  	[tilespmem:s1], [sflag:$0x5] =	stream.linear.gather [hbm4b:s0+s1], $0x80, $0x38;
	[tilespmem:$0x18100] =	vst v63  }
0x1c: {  	_ =	swait.ge [sflag:s29], $0x80  }
0x1d: {  	[sflag:s29] =	ssyncset.done $0x0  }
0x1e: {  	[sflag:s29] =	ssyncadd.s32 $0xFFFFFF80  }
0x1f: {  	s3 =	simm.s32 $0x80;
	s30 =	rddreg [dreg:$0x1]  }
0x20: {  	[tilespmem:s3], [sflag:$0x5] =	stream.linear.gather [hbm4b:s30+s1], $0x80, $0x38;
	[tilespmem:$0x18100] =	vst v63  }
0x21: {  	_ =	swait.ge [sflag:s29], $0x80  }
0x22: {  	[sflag:s29] =	ssyncset.done $0x0  }
0x23: {  	s31 =	simm.s32 $0x0;
	[sflag:s29] =	ssyncadd.s32 $0xFFFFFF80  }
0x24: {  	v1 =	vld [tilespmem:s31+$0x0];
	_ =	sdelay $0x3  }
0x25: {  	v9 =	vld [tilespmem:$0x80]  }
0x26: {  	v3 =	vbroadcast v1, $0x0  }
0x27: {  	v2 =	vbroadcast v1, $0x9;
	v4 =	vbroadcast v1, $0x3  }
0x28: {  	v5 =	vbroadcast v1, $0x1;
	v6 =	vbroadcast v1, $0x6  }
0x29: {  	v10 =	vbroadcast v1, $0x4;
	v11 =	vbroadcast v1, $0xC  }
0x2a: {  	vm0 =	vlt.f32 v3, v9;
	v3 =	vbroadcast v1, $0x5;
	vm1 =	vlt.f32 v4, v9  }
0x2b: {  	vm2 =	vlt.f32 v6, v9;
	vm3 =	vlt.f32 v10, v9;
	v10 =	vbroadcast v1, $0x8  }
0x2c: {  	v7 =	vsel vm0, $0x1, v0;
	vm0 =	vlt.f32 v5, v9;
	v5 =	vbroadcast v1, $0x2  }
0x2d: {  	v8 =	vsel vm0, $0x1, v0;
	vm0 =	vlt.f32 v3, v9;
	v3 =	vbroadcast v1, $0x7  }
0x2e: {  	v4 =	vsel vm2, $0x1, v0;
	v13 =	vsel vm1, $0x1, v0;
	vm2 =	vlt.f32 v10, v9  }
0x2f: {  	v7 =	vadd.s32 v7, v0;
	v6 =	vsel vm0, $0x1, v0;
	vm0 =	vlt.f32 v3, v9  }
0x30: {  	v10 =	vsel vm3, $0x1, v0;
	v3 =	vsel vm0, $0x1, v0;
	vm0 =	vlt.f32 v5, v9  }
0x31: {  	v7 =	vadd.s32 v8, v7;
	v8 =	vbroadcast v1, $0xB;
	v12 =	vsel vm0, $0x1, v0  }
0x32: {  	v5 =	vsel vm2, $0x1, v0;
	vm0 =	vlt.f32 v11, v9;
	v12 =	vadd.s32 v12, v7  }
0x33: {  	s0 =	simm.s32 $0x40;
	v11 =	vbroadcast v1, $0xD;
	v7 =	vbroadcast v1, $0xA;
	v12 =	vadd.s32 v13, v12  }
.LBB2_2:
0x34: {  	s1 =	sshra.s32 s0, $0x2;
	p0 =	sne.s32 s0, $0x1C0;
	s0 =	sadd.s32 $0x40, s0;
	v13 =	vbroadcast v1, $0xE;
	v14 =	vbroadcast v1, $0xF  }
0x35: {  	vm1 =	vlt.f32 v2, v9;
	v1 =	vld [tilespmem:s1+$0x0];
	vm2 =	vlt.f32 v11, v9  }
0x36: {  	v11 =	vsel vm2, $0x1, v0;
	vm2 =	vlt.f32 v13, v9;
	vm3 =	vlt.f32 v14, v9  }
0x37: {  	v2 =	vadd.s32 v10, v12;
	v10 =	vsel vm0, $0x1, v0;
	v12 =	vsel vm3, $0x1, v0  }
0x38: {  	vm0 =	vlt.f32 v8, v9;
	v6 =	vadd.s32 v6, v2;
	v8 =	vsel vm2, $0x1, v0  }
0x39: {  	v13 =	vsel vm1, $0x1, v0;
	vm1 =	vlt.f32 v7, v9;
	v7 =	vsel vm0, $0x1, v0  }
0x3a: {  	v15 =	vsel vm1, $0x1, v0;
	v14 =	vbroadcast v1, $0x0;
	v2 =	vbroadcast v1, $0x9  }
0x3b: {  	v4 =	vadd.s32 v4, v6;
	v16 =	vbroadcast v1, $0x3;
	v17 =	vbroadcast v1, $0x6  }
0x3c: {  	v3 =	vadd.s32 v3, v4;
	v6 =	vbroadcast v1, $0x1;
	vm0 =	vlt.f32 v14, v9  }
0x3d: {  	v3 =	vadd.s32 v5, v3;
	v4 =	vbroadcast v1, $0x5;
	v14 =	vsel vm0, $0x1, v0  }
0x3e: {  	v3 =	vadd.s32 v13, v3;
	v5 =	vbroadcast v1, $0x2;
	vm0 =	vlt.f32 v6, v9  }
0x3f: {  	v6 =	vbroadcast v1, $0x4;
	v13 =	vsel vm0, $0x1, v0;
	vm0 =	vlt.f32 v4, v9  }
0x40: {  	v18 =	vbroadcast v1, $0xC;
	v3 =	vadd.s32 v15, v3;
	v4 =	vbroadcast v1, $0x7  }
0x41: {  	v3 =	vadd.s32 v7, v3;
	vm1 =	vlt.f32 v16, v9;
	vm2 =	vlt.f32 v17, v9  }
0x42: {  	v3 =	vadd.s32 v10, v3;
	vm3 =	vlt.f32 v6, v9;
	v6 =	vsel vm0, $0x1, v0  }
0x43: {  	v7 =	vbroadcast v1, $0x8;
	v10 =	vadd.s32 v11, v3;
	vm0 =	vlt.f32 v4, v9  }
0x44: {  	v8 =	vadd.s32 v8, v10;
	v4 =	vsel vm2, $0x1, v0;
	v3 =	vsel vm0, $0x1, v0  }
.Ltmp2:
0x45: {  	vm2 =	vlt.f32 v7, v9;
	vm0 =	vlt.f32 v5, v9;
	v5 =	vadd.s32 v12, v8;
	(pc) =	sbr.rel @p0 .LBB2_2-.Ltmp2, $4  }
0x46: {  	v7 =	vadd.s32 v14, v5;
	v8 =	vsel vm0, $0x1, v0;
	v5 =	vsel vm2, $0x1, v0  }
0x47: {  	v11 =	vsel vm1, $0x1, v0;
	v10 =	vsel vm3, $0x1, v0;
	v7 =	vadd.s32 v13, v7  }
0x48: {  	v12 =	vadd.s32 v8, v7;
	v7 =	vbroadcast v1, $0xA;
	v8 =	vbroadcast v1, $0xB  }
0x49: {  	vm0 =	vlt.f32 v18, v9;
	v12 =	vadd.s32 v11, v12;
	v11 =	vbroadcast v1, $0xD  }
0x4a: {  	v10 =	vadd.s32 v10, v12  }
0x4b: {  	v6 =	vadd.s32 v6, v10  }
0x4c: {  	v4 =	vadd.s32 v4, v6  }
0x4d: {  	vm1 =	vlt.f32 v2, v9;
	vm2 =	vlt.f32 v8, v9;
	v2 =	vadd.s32 v3, v4  }
0x4e: {  	v3 =	vsel vm1, $0x1, v0;
	vm1 =	vlt.f32 v7, v9;
	v2 =	vadd.s32 v5, v2  }
0x4f: {  	v6 =	vbroadcast v1, $0xE;
	v4 =	vsel vm1, $0x1, v0;
	v2 =	vadd.s32 v3, v2  }
0x50: {  	v1 =	vbroadcast v1, $0xF;
	v3 =	vsel vm2, $0x1, v0;
	v2 =	vadd.s32 v4, v2  }
0x51: {  	vm1 =	vlt.f32 v11, v9;
	v4 =	vsel vm0, $0x1, v0;
	v2 =	vadd.s32 v3, v2  }
0x52: {  	vm0 =	vlt.f32 v6, v9;
	v3 =	vsel vm1, $0x1, v0;
	v2 =	vadd.s32 v4, v2  }
0x53: {  	vm1 =	vlt.f32 v1, v9;
	v1 =	vsel vm0, $0x1, v0;
	v2 =	vadd.s32 v3, v2  }
0x54: {  	v3 =	vsel vm1, $0x1, v0;
	v1 =	vadd.s32 v1, v2  }
0x55: {  	v1 =	vadd.s32 v3, v1  }
0x56: {  	vm0 =	vlt.s32 v1, $0x7F  }
0x57: {  	v1 =	vnsel vm0, $0x7F, v1  }
0x58: {  	v2 =	vadd.s32 $0xFFFFFFFF, v1  }
0x59: {  	vm0 =	vgt.s32 v2, $0x0  }
0x5a: {  	v2 =	vnsel vm0, $0x0, v2;
	_ =	sdelay $0x2  }
0x5b: {  	s1 =	simm.s32 $0x0  }
0x5c: {  	s0 =	simm.s32 $0x0;
	v3 =	vld [tilespmem:s1+$0x0]  }
0x5d: {  	v4 =	vld.idx.msk [tilespmem:v2+s0+$0x0], $0xffff  }
0x5e: {  	v10 =	vld [tilespmem:$0x90];
	_ =	sdelay $0x2  }
0x5f: {  	v7 =	vimm.s32 $0x0;
	v6 =	vbroadcast v3, $0x0;
	v11 =	vbroadcast v3, $0x6  }
0x60: {  	v8 =	vbroadcast v3, $0x1;
	v13 =	vbroadcast v3, $0x2;
	vm1 =	veq.f32 v4, v9  }
0x61: {  	v16 =	vbroadcast v3, $0xC;
	vm2 =	vlt.f32 v11, v10;
	vm0 =	vmand vm0, vm1  }
0x62: {  	v11 =	vbroadcast v3, $0x8;
	v5 =	vsel vm0, $0xFFFFFFFF, v0;
	vm0 =	vlt.f32 v6, v10  }
0x63: {  	v6 =	vbroadcast v3, $0x5;
	v2 =	vadd.s32 v5, v2;
	v5 =	vbroadcast v3, $0x3  }
0x64: {  	v12 =	vsel vm0, $0x1, v0;
	vm0 =	vlt.f32 v8, v10;
	v8 =	vbroadcast v3, $0x4  }
0x65: {  	v14 =	vsel vm0, $0x1, v0;
	vm0 =	vlt.f32 v6, v10;
	v6 =	vbroadcast v3, $0x7  }
0x66: {  	v4 =	vbroadcast v3, $0x9;
	vm1 =	vlt.f32 v5, v10;
	vm3 =	vlt.f32 v8, v10  }
0x67: {  	v8 =	vsel vm0, $0x1, v0;
	vm0 =	vlt.f32 v6, v10;
	v6 =	vsel vm2, $0x1, v0  }
0x68: {  	vm2 =	vlt.f32 v11, v10;
	v11 =	vadd.s32 v12, v7;
	v17 =	vsel vm1, $0x1, v0  }
0x69: {  	v15 =	vsel vm3, $0x1, v0;
	v5 =	vsel vm0, $0x1, v0;
	vm0 =	vlt.f32 v13, v10  }
0x6a: {  	v7 =	vsel vm2, $0x1, v0;
	v13 =	vadd.s32 v14, v11;
	v12 =	vsel vm0, $0x1, v0  }
0x6b: {  	v14 =	vbroadcast v3, $0xB;
	v11 =	vld.idx.msk [tilespmem:v2+s0+$0x0], $0xffff;
	vm0 =	vlt.f32 v16, v10;
	v18 =	vadd.s32 v12, v13  }
0x6c: {  	v16 =	vbroadcast v3, $0xD;
	v13 =	vbroadcast v3, $0xA;
	v12 =	vld.idx.msk [tilespmem:v1+s0+$0x0], $0xffff;
	s0 =	simm.s32 $0x40;
	v17 =	vadd.s32 v17, v18  }
.LBB2_4:
0x6d: {  	s1 =	sshra.s32 s0, $0x2;
	p0 =	sne.s32 s0, $0x1C0;
	s0 =	sadd.s32 $0x40, s0;
	v18 =	vbroadcast v3, $0xE;
	v19 =	vbroadcast v3, $0xF  }
0x6e: {  	vm1 =	vlt.f32 v4, v10;
	v3 =	vld [tilespmem:s1+$0x0];
	vm2 =	vlt.f32 v16, v10  }
0x6f: {  	v16 =	vsel vm2, $0x1, v0;
	vm2 =	vlt.f32 v18, v10;
	vm3 =	vlt.f32 v19, v10  }
0x70: {  	v4 =	vadd.s32 v15, v17;
	v15 =	vsel vm0, $0x1, v0;
	v17 =	vsel vm3, $0x1, v0  }
0x71: {  	vm0 =	vlt.f32 v14, v10;
	v8 =	vadd.s32 v8, v4;
	v14 =	vsel vm2, $0x1, v0  }
0x72: {  	v18 =	vsel vm1, $0x1, v0;
	vm1 =	vlt.f32 v13, v10;
	v13 =	vsel vm0, $0x1, v0  }
0x73: {  	v20 =	vsel vm1, $0x1, v0;
	v19 =	vbroadcast v3, $0x0;
	v4 =	vbroadcast v3, $0x9  }
0x74: {  	v6 =	vadd.s32 v6, v8;
	v21 =	vbroadcast v3, $0x3;
	v22 =	vbroadcast v3, $0x6  }
0x75: {  	v5 =	vadd.s32 v5, v6;
	v8 =	vbroadcast v3, $0x1;
	vm0 =	vlt.f32 v19, v10  }
0x76: {  	v5 =	vadd.s32 v7, v5;
	v6 =	vbroadcast v3, $0x5;
	v19 =	vsel vm0, $0x1, v0  }
0x77: {  	v5 =	vadd.s32 v18, v5;
	v7 =	vbroadcast v3, $0x2;
	vm0 =	vlt.f32 v8, v10  }
0x78: {  	v8 =	vbroadcast v3, $0x4;
	v18 =	vsel vm0, $0x1, v0;
	vm0 =	vlt.f32 v6, v10  }
0x79: {  	v23 =	vbroadcast v3, $0xC;
	v5 =	vadd.s32 v20, v5;
	v6 =	vbroadcast v3, $0x7  }
0x7a: {  	v5 =	vadd.s32 v13, v5;
	vm1 =	vlt.f32 v21, v10;
	vm2 =	vlt.f32 v22, v10  }
0x7b: {  	v5 =	vadd.s32 v15, v5;
	vm3 =	vlt.f32 v8, v10;
	v8 =	vsel vm0, $0x1, v0  }
0x7c: {  	v13 =	vbroadcast v3, $0x8;
	v15 =	vadd.s32 v16, v5;
	vm0 =	vlt.f32 v6, v10  }
0x7d: {  	v14 =	vadd.s32 v14, v15;
	v6 =	vsel vm2, $0x1, v0;
	v5 =	vsel vm0, $0x1, v0  }
.Ltmp3:
0x7e: {  	vm2 =	vlt.f32 v13, v10;
	vm0 =	vlt.f32 v7, v10;
	v7 =	vadd.s32 v17, v14;
	(pc) =	sbr.rel @p0 .LBB2_4-.Ltmp3, $4  }
0x7f: {  	v13 =	vadd.s32 v19, v7;
	v14 =	vsel vm0, $0x1, v0;
	v7 =	vsel vm2, $0x1, v0  }
0x80: {  	v16 =	vsel vm1, $0x1, v0;
	v15 =	vsel vm3, $0x1, v0;
	v13 =	vadd.s32 v18, v13  }
0x81: {  	v17 =	vadd.s32 v14, v13;
	v13 =	vbroadcast v3, $0xA;
	v14 =	vbroadcast v3, $0xB  }
0x82: {  	vm0 =	vlt.f32 v23, v10;
	v17 =	vadd.s32 v16, v17;
	v16 =	vbroadcast v3, $0xD  }
0x83: {  	v15 =	vadd.s32 v15, v17  }
0x84: {  	v8 =	vadd.s32 v8, v15  }
0x85: {  	v6 =	vadd.s32 v6, v8  }
0x86: {  	vm1 =	vlt.f32 v4, v10;
	vm2 =	vlt.f32 v14, v10;
	v4 =	vadd.s32 v5, v6  }
0x87: {  	v5 =	vsel vm1, $0x1, v0;
	vm1 =	vlt.f32 v13, v10;
	v4 =	vadd.s32 v7, v4  }
0x88: {  	v8 =	vbroadcast v3, $0xE;
	v6 =	vsel vm1, $0x1, v0;
	v4 =	vadd.s32 v5, v4  }
0x89: {  	v3 =	vbroadcast v3, $0xF;
	v5 =	vsel vm2, $0x1, v0;
	v4 =	vadd.s32 v6, v4  }
0x8a: {  	vm1 =	vlt.f32 v16, v10;
	v6 =	vsel vm0, $0x1, v0;
	v4 =	vadd.s32 v5, v4  }
0x8b: {  	vm0 =	vlt.f32 v8, v10;
	v5 =	vsel vm1, $0x1, v0;
	v4 =	vadd.s32 v6, v4  }
0x8c: {  	vm1 =	vlt.f32 v3, v10;
	v3 =	vsel vm0, $0x1, v0;
	v4 =	vadd.s32 v5, v4  }
0x8d: {  	v5 =	vsel vm1, $0x1, v0;
	v3 =	vadd.s32 v3, v4  }
0x8e: {  	v3 =	vadd.s32 v5, v3  }
0x8f: {  	vm0 =	vlt.s32 v3, $0x7F  }
0x90: {  	v3 =	vnsel vm0, $0x7F, v3  }
0x91: {  	v4 =	vadd.s32 $0xFFFFFFFF, v3  }
0x92: {  	vm0 =	vgt.s32 v4, $0x0  }
0x93: {  	v4 =	vnsel vm0, $0x0, v4  }
0x94: {  	s1 =	simm.s32 $0x0  }
0x95: {  	v5 =	vld [tilespmem:s1+$0x0];
	_ =	sdelay $0x1  }
0x96: {  	s0 =	simm.s32 $0x0;
	v13 =	vld [tilespmem:$0xA0]  }
0x97: {  	v6 =	vld.idx.msk [tilespmem:v4+s0+$0x0], $0xffff;
	_ =	sdelay $0x1  }
0x98: {  	v8 =	vbroadcast v5, $0x0  }
0x99: {  	v16 =	vbroadcast v5, $0x6;
	v17 =	vbroadcast v5, $0x4  }
0x9a: {  	v14 =	vimm.s32 $0x0;
	v15 =	vbroadcast v5, $0x1;
	v21 =	vbroadcast v5, $0xC  }
0x9b: {  	vm2 =	vlt.f32 v16, v13;
	vm3 =	vlt.f32 v17, v13;
	vm1 =	veq.f32 v6, v10  }
0x9c: {  	v16 =	vbroadcast v5, $0x8;
	v20 =	vsel vm3, $0x1, v0;
	vm0 =	vmand vm0, vm1  }
0x9d: {  	v6 =	vbroadcast v5, $0x9;
	v7 =	vsel vm0, $0xFFFFFFFF, v0;
	vm0 =	vlt.f32 v8, v13  }
0x9e: {  	v8 =	vbroadcast v5, $0x5;
	v4 =	vadd.s32 v7, v4;
	v7 =	vbroadcast v5, $0x3  }
0x9f: {  	v18 =	vsel vm0, $0x1, v0;
	vm0 =	vlt.f32 v15, v13;
	v15 =	vbroadcast v5, $0x2  }
0xa0: {  	v19 =	vsel vm0, $0x1, v0;
	vm0 =	vlt.f32 v8, v13;
	v8 =	vbroadcast v5, $0x7  }
0xa1: {  	v14 =	vadd.s32 v18, v14;
	vm1 =	vlt.f32 v7, v13;
	v17 =	vsel vm0, $0x1, v0  }
0xa2: {  	v18 =	vadd.s32 v19, v14;
	v19 =	vbroadcast v5, $0xB;
	vm0 =	vlt.f32 v8, v13  }
0xa3: {  	v8 =	vsel vm2, $0x1, v0;
	v7 =	vsel vm0, $0x1, v0;
	vm0 =	vlt.f32 v15, v13  }
0xa4: {  	vm2 =	vlt.f32 v16, v13;
	v22 =	vsel vm1, $0x1, v0;
	v15 =	vsel vm0, $0x1, v0  }
0xa5: {  	v16 =	vsel vm2, $0x1, v0;
	v14 =	vld.idx.msk [tilespmem:v4+s0+$0x0], $0xffff;
	vm0 =	vlt.f32 v21, v13;
	v23 =	vadd.s32 v15, v18  }
0xa6: {  	v21 =	vbroadcast v5, $0xD;
	v18 =	vbroadcast v5, $0xA;
	v15 =	vld.idx.msk [tilespmem:v3+s0+$0x0], $0xffff;
	s0 =	simm.s32 $0x40;
	v22 =	vadd.s32 v22, v23  }
.LBB2_6:
0xa7: {  	s1 =	sshra.s32 s0, $0x2;
	p0 =	sne.s32 s0, $0x1C0;
	s0 =	sadd.s32 $0x40, s0;
	v23 =	vbroadcast v5, $0xE;
	v24 =	vbroadcast v5, $0xF  }
0xa8: {  	vm1 =	vlt.f32 v6, v13;
	v5 =	vld [tilespmem:s1+$0x0];
	vm2 =	vlt.f32 v21, v13  }
0xa9: {  	v21 =	vsel vm2, $0x1, v0;
	vm2 =	vlt.f32 v23, v13;
	vm3 =	vlt.f32 v24, v13  }
0xaa: {  	v6 =	vadd.s32 v20, v22;
	v20 =	vsel vm0, $0x1, v0;
	v22 =	vsel vm3, $0x1, v0  }
0xab: {  	vm0 =	vlt.f32 v19, v13;
	v17 =	vadd.s32 v17, v6;
	v19 =	vsel vm2, $0x1, v0  }
0xac: {  	v23 =	vsel vm1, $0x1, v0;
	vm1 =	vlt.f32 v18, v13;
	v18 =	vsel vm0, $0x1, v0  }
0xad: {  	v25 =	vsel vm1, $0x1, v0;
	v24 =	vbroadcast v5, $0x0;
	v6 =	vbroadcast v5, $0x9  }
0xae: {  	v8 =	vadd.s32 v8, v17;
	v26 =	vbroadcast v5, $0x3;
	v27 =	vbroadcast v5, $0x6  }
0xaf: {  	v7 =	vadd.s32 v7, v8;
	v17 =	vbroadcast v5, $0x1;
	vm0 =	vlt.f32 v24, v13  }
0xb0: {  	v7 =	vadd.s32 v16, v7;
	v8 =	vbroadcast v5, $0x5;
	v24 =	vsel vm0, $0x1, v0  }
0xb1: {  	v7 =	vadd.s32 v23, v7;
	v16 =	vbroadcast v5, $0x2;
	vm0 =	vlt.f32 v17, v13  }
0xb2: {  	v17 =	vbroadcast v5, $0x4;
	v23 =	vsel vm0, $0x1, v0;
	vm0 =	vlt.f32 v8, v13  }
0xb3: {  	v28 =	vbroadcast v5, $0xC;
	v7 =	vadd.s32 v25, v7;
	v8 =	vbroadcast v5, $0x7  }
0xb4: {  	v7 =	vadd.s32 v18, v7;
	vm1 =	vlt.f32 v26, v13;
	vm2 =	vlt.f32 v27, v13  }
0xb5: {  	v7 =	vadd.s32 v20, v7;
	vm3 =	vlt.f32 v17, v13;
	v17 =	vsel vm0, $0x1, v0  }
0xb6: {  	v18 =	vbroadcast v5, $0x8;
	v20 =	vadd.s32 v21, v7;
	vm0 =	vlt.f32 v8, v13  }
0xb7: {  	v19 =	vadd.s32 v19, v20;
	v8 =	vsel vm2, $0x1, v0;
	v7 =	vsel vm0, $0x1, v0  }
.Ltmp4:
0xb8: {  	vm2 =	vlt.f32 v18, v13;
	vm0 =	vlt.f32 v16, v13;
	v16 =	vadd.s32 v22, v19;
	(pc) =	sbr.rel @p0 .LBB2_6-.Ltmp4, $4  }
0xb9: {  	v18 =	vadd.s32 v24, v16;
	v19 =	vsel vm0, $0x1, v0;
	v16 =	vsel vm2, $0x1, v0  }
0xba: {  	v21 =	vsel vm1, $0x1, v0;
	v20 =	vsel vm3, $0x1, v0;
	v18 =	vadd.s32 v23, v18  }
0xbb: {  	v22 =	vadd.s32 v19, v18;
	v18 =	vbroadcast v5, $0xA;
	v19 =	vbroadcast v5, $0xB  }
0xbc: {  	vm0 =	vlt.f32 v28, v13;
	v22 =	vadd.s32 v21, v22;
	v21 =	vbroadcast v5, $0xD  }
0xbd: {  	v20 =	vadd.s32 v20, v22  }
0xbe: {  	v17 =	vadd.s32 v17, v20  }
0xbf: {  	v8 =	vadd.s32 v8, v17  }
0xc0: {  	vm1 =	vlt.f32 v6, v13;
	vm2 =	vlt.f32 v19, v13;
	v6 =	vadd.s32 v7, v8  }
0xc1: {  	v7 =	vsel vm1, $0x1, v0;
	vm1 =	vlt.f32 v18, v13;
	v6 =	vadd.s32 v16, v6  }
0xc2: {  	v17 =	vbroadcast v5, $0xE;
	v8 =	vsel vm1, $0x1, v0;
	v6 =	vadd.s32 v7, v6  }
0xc3: {  	v5 =	vbroadcast v5, $0xF;
	v7 =	vsel vm2, $0x1, v0;
	v6 =	vadd.s32 v8, v6  }
0xc4: {  	vm1 =	vlt.f32 v21, v13;
	v8 =	vsel vm0, $0x1, v0;
	v6 =	vadd.s32 v7, v6  }
0xc5: {  	vm0 =	vlt.f32 v17, v13;
	v7 =	vsel vm1, $0x1, v0;
	v6 =	vadd.s32 v8, v6  }
0xc6: {  	vm1 =	vlt.f32 v5, v13;
	v5 =	vsel vm0, $0x1, v0;
	v6 =	vadd.s32 v7, v6  }
0xc7: {  	v7 =	vsel vm1, $0x1, v0;
	v5 =	vadd.s32 v5, v6  }
0xc8: {  	v5 =	vadd.s32 v7, v5  }
0xc9: {  	vm0 =	vlt.s32 v5, $0x7F  }
0xca: {  	v5 =	vnsel vm0, $0x7F, v5  }
0xcb: {  	v6 =	vadd.s32 $0xFFFFFFFF, v5  }
0xcc: {  	vm0 =	vgt.s32 v6, $0x0  }
0xcd: {  	v6 =	vnsel vm0, $0x0, v6;
	_ =	sdelay $0x2  }
0xce: {  	s1 =	simm.s32 $0x0  }
0xcf: {  	s0 =	simm.s32 $0x0;
	v7 =	vld [tilespmem:s1+$0x0]  }
0xd0: {  	v8 =	vld.idx.msk [tilespmem:v6+s0+$0x0], $0xffff  }
0xd1: {  	v16 =	vld [tilespmem:$0xB0];
	_ =	sdelay $0x2  }
0xd2: {  	v17 =	vimm.s32 $0x0;
	v19 =	vbroadcast v7, $0x0;
	v21 =	vbroadcast v7, $0x6  }
0xd3: {  	v20 =	vbroadcast v7, $0x1;
	v24 =	vbroadcast v7, $0x2;
	vm1 =	veq.f32 v8, v13  }
0xd4: {  	v26 =	vbroadcast v7, $0xC;
	vm2 =	vlt.f32 v21, v16;
	vm0 =	vmand vm0, vm1  }
0xd5: {  	v8 =	vbroadcast v7, $0x9;
	v18 =	vsel vm0, $0xFFFFFFFF, v0;
	vm0 =	vlt.f32 v19, v16  }
0xd6: {  	v19 =	vbroadcast v7, $0x5;
	v6 =	vadd.s32 v18, v6;
	v18 =	vbroadcast v7, $0x3  }
0xd7: {  	v23 =	vsel vm0, $0x1, v0;
	vm0 =	vlt.f32 v20, v16;
	v20 =	vbroadcast v7, $0x4  }
0xd8: {  	v25 =	vsel vm0, $0x1, v0;
	vm0 =	vlt.f32 v19, v16;
	v19 =	vbroadcast v7, $0x7  }
0xd9: {  	v17 =	vadd.s32 v23, v17;
	vm1 =	vlt.f32 v18, v16;
	vm3 =	vlt.f32 v20, v16  }
0xda: {  	v18 =	vbroadcast v7, $0x8;
	v22 =	vsel vm0, $0x1, v0;
	v20 =	vsel vm2, $0x1, v0  }
0xdb: {  	v23 =	vadd.s32 v25, v17;
	vm0 =	vlt.f32 v19, v16;
	v27 =	vsel vm1, $0x1, v0  }
0xdc: {  	v25 =	vsel vm3, $0x1, v0;
	v19 =	vsel vm0, $0x1, v0;
	vm0 =	vlt.f32 v24, v16  }
0xdd: {  	vm2 =	vlt.f32 v18, v16;
	v24 =	vbroadcast v7, $0xB;
	v18 =	vsel vm0, $0x1, v0  }
0xde: {  	v21 =	vsel vm2, $0x1, v0;
	v17 =	vld.idx.msk [tilespmem:v6+s0+$0x0], $0xffff;
	vm0 =	vlt.f32 v26, v16;
	v28 =	vadd.s32 v18, v23  }
0xdf: {  	v26 =	vbroadcast v7, $0xD;
	v23 =	vbroadcast v7, $0xA;
	v18 =	vld.idx.msk [tilespmem:v5+s0+$0x0], $0xffff;
	s0 =	simm.s32 $0x40;
	v27 =	vadd.s32 v27, v28  }
.LBB2_8:
0xe0: {  	s1 =	sshra.s32 s0, $0x2;
	p0 =	sne.s32 s0, $0x1C0;
	s0 =	sadd.s32 $0x40, s0;
	v28 =	vbroadcast v7, $0xE;
	v29 =	vbroadcast v7, $0xF  }
0xe1: {  	vm1 =	vlt.f32 v8, v16;
	v7 =	vld [tilespmem:s1+$0x0];
	vm2 =	vlt.f32 v26, v16  }
0xe2: {  	v26 =	vsel vm2, $0x1, v0;
	vm2 =	vlt.f32 v28, v16;
	vm3 =	vlt.f32 v29, v16  }
0xe3: {  	v8 =	vadd.s32 v25, v27;
	v25 =	vsel vm0, $0x1, v0;
	v27 =	vsel vm3, $0x1, v0  }
0xe4: {  	vm0 =	vlt.f32 v24, v16;
	v22 =	vadd.s32 v22, v8;
	v24 =	vsel vm2, $0x1, v0  }
0xe5: {  	v28 =	vsel vm1, $0x1, v0;
	vm1 =	vlt.f32 v23, v16;
	v23 =	vsel vm0, $0x1, v0  }
0xe6: {  	v30 =	vsel vm1, $0x1, v0;
	v29 =	vbroadcast v7, $0x0;
	v8 =	vbroadcast v7, $0x9  }
0xe7: {  	v20 =	vadd.s32 v20, v22;
	v31 =	vbroadcast v7, $0x3;
	v32 =	vbroadcast v7, $0x6  }
0xe8: {  	v19 =	vadd.s32 v19, v20;
	v22 =	vbroadcast v7, $0x1;
	vm0 =	vlt.f32 v29, v16  }
0xe9: {  	v19 =	vadd.s32 v21, v19;
	v20 =	vbroadcast v7, $0x5;
	v29 =	vsel vm0, $0x1, v0  }
0xea: {  	v19 =	vadd.s32 v28, v19;
	v21 =	vbroadcast v7, $0x2;
	vm0 =	vlt.f32 v22, v16  }
0xeb: {  	v22 =	vbroadcast v7, $0x4;
	v28 =	vsel vm0, $0x1, v0;
	vm0 =	vlt.f32 v20, v16  }
0xec: {  	v33 =	vbroadcast v7, $0xC;
	v19 =	vadd.s32 v30, v19;
	v20 =	vbroadcast v7, $0x7  }
0xed: {  	v19 =	vadd.s32 v23, v19;
	vm1 =	vlt.f32 v31, v16;
	vm2 =	vlt.f32 v32, v16  }
0xee: {  	v19 =	vadd.s32 v25, v19;
	vm3 =	vlt.f32 v22, v16;
	v22 =	vsel vm0, $0x1, v0  }
0xef: {  	v23 =	vbroadcast v7, $0x8;
	v25 =	vadd.s32 v26, v19;
	vm0 =	vlt.f32 v20, v16  }
0xf0: {  	v24 =	vadd.s32 v24, v25;
	v20 =	vsel vm2, $0x1, v0;
	v19 =	vsel vm0, $0x1, v0  }
.Ltmp5:
0xf1: {  	vm2 =	vlt.f32 v23, v16;
	vm0 =	vlt.f32 v21, v16;
	v21 =	vadd.s32 v27, v24;
	(pc) =	sbr.rel @p0 .LBB2_8-.Ltmp5, $4  }
0xf2: {  	v23 =	vadd.s32 v29, v21;
	v24 =	vsel vm0, $0x1, v0;
	v21 =	vsel vm2, $0x1, v0  }
0xf3: {  	v26 =	vsel vm1, $0x1, v0;
	v25 =	vsel vm3, $0x1, v0;
	v23 =	vadd.s32 v28, v23  }
0xf4: {  	v27 =	vadd.s32 v24, v23;
	v23 =	vbroadcast v7, $0xA;
	v24 =	vbroadcast v7, $0xB  }
0xf5: {  	vm0 =	vlt.f32 v33, v16;
	v27 =	vadd.s32 v26, v27;
	v26 =	vbroadcast v7, $0xD  }
0xf6: {  	v25 =	vadd.s32 v25, v27  }
0xf7: {  	v22 =	vadd.s32 v22, v25  }
0xf8: {  	v20 =	vadd.s32 v20, v22  }
0xf9: {  	v53 =	vbroadcast v7, $0xE;
	vm1 =	vlt.f32 v8, v16;
	v8 =	vadd.s32 v19, v20  }
0xfa: {  	vm5 =	vlt.f32 v23, v16;
	v54 =	vsel vm1, $0x1, v0;
	v8 =	vadd.s32 v21, v8  }
0xfb: {  	vm2 =	vlt.f32 v24, v16;
	v55 =	vsel vm5, $0x1, v0;
	v8 =	vadd.s32 v54, v8  }
0xfc: {  	v7 =	vbroadcast v7, $0xF;
	v56 =	vsel vm2, $0x1, v0;
	v8 =	vadd.s32 v55, v8  }
0xfd: {  	v57 =	vsel vm0, $0x1, v0;
	vm6 =	vlt.f32 v26, v16;
	v8 =	vadd.s32 v56, v8  }
0xfe: {  	v58 =	vsel vm6, $0x1, v0;
	vm7 =	vlt.f32 v53, v16;
	v8 =	vadd.s32 v57, v8  }
0xff: {  	vm8 =	vlt.f32 v7, v16;
	v7 =	vsel vm7, $0x1, v0;
	v8 =	vadd.s32 v58, v8  }
0x100: {  	v59 =	vsel vm8, $0x1, v0;
	v7 =	vadd.s32 v7, v8  }
0x101: {  	v7 =	vadd.s32 v59, v7  }
0x102: {  	vm9 =	vlt.s32 v7, $0x7F  }
0x103: {  	v7 =	vnsel vm9, $0x7F, v7  }
0x104: {  	v8 =	vadd.s32 $0xFFFFFFFF, v7  }
0x105: {  	vm10 =	vgt.s32 v8, $0x0  }
0x106: {  	v8 =	vnsel vm10, $0x0, v8;
	_ =	sdelay $0x3  }
0x107: {  	s1 =	simm.s32 $0x0  }
0x108: {  	v60 =	vld.idx.msk [tilespmem:v8+s1+$0x0], $0xffff;
	_ =	sdelay $0x4  }
0x109: {  	vm11 =	veq.f32 v60, v16  }
0x10a: {  	vm0 =	vmand vm10, vm11  }
0x10b: {  	v61 =	vsel vm0, $0xFFFFFFFF, v0  }
0x10c: {  	v8 =	vadd.s32 v61, v8;
	_ =	sdelay $0x3  }
0x10d: {  	v62 =	vld.idx.msk [tilespmem:v7+s1+$0x0], $0xffff  }
0x10e: {  	v19 =	vld.idx.msk [tilespmem:v8+s1+$0x0], $0xffff;
	_ =	sdelay $0x1  }
0x10f: {  	v12 =	vsub.f32 v12, v11  }
0x110: {  	v15 =	vsub.f32 v15, v14  }
0x111: {  	v18 =	vsub.f32 v18, v17;
	vm12 =	veq.f32 v12, $0.0e+00  }
0x112: {  	vm13 =	veq.f32 v15, $0.0e+00;
	v12 =	vsel vm12, $0x358637BD, v12;
	v20 =	vsub.f32 v62, v19  }
0x113: {  	vm14 =	veq.f32 v18, $0.0e+00;
	(erf) = vrcp.f32 v12;
	v12 =	vsel vm13, $0x358637BD, v15  }
0x114: {  	(erf) = vrcp.f32 v12;
	v12 =	vsel vm14, $0x358637BD, v18;
	vm15 =	veq.f32 v20, $0.0e+00  }
0x115: {  	(erf) = vrcp.f32 v12;
	v12 =	vsel vm15, $0x358637BD, v20  }
0x116: {  	(erf) = vrcp.f32 v12;
	_ =	sdelay $0x5  }
0x117: {  	v12 =	vpop (erf)  }
0x118: {  	v15 =	vpop (erf)  }
0x119: {  	v9 =	vsub.f32 v9, v11;
	s0 =	rddreg [dreg:$0x6];
	s31 =	simm.s32 $0x1;
	v63 =	vpop (erf)  }
0x11a: {  	v10 =	vsub.f32 v10, v14;
	v11 =	vsub.f32 v13, v17;
	[tilespmem:s13], [sflag:$0x1] =	stream.linear.gather [hbm4b:s0+s1], $0x8000, $0x38;
	v14 =	vpop (erf);
	[tilespmem:$0x18100] =	vst v63  }
0x11b: {  	v13 =	vsub.f32 v16, v19;
	_ =	swait.ge [sflag:s31], $0x8000  }
0x11c: {  	v9 =	vmul.f32 v12, v9;
	v11 =	vmul.f32 v63, v11;
	[sflag:s31] =	ssyncset.done $0x0  }
0x11d: {  	s23 =	simm.s32 $0x0;
	v10 =	vmul.f32 v15, v10;
	v12 =	vmul.f32 v14, v13;
	[sflag:s31] =	ssyncadd.s32 $0xFFFF8000  }
.LBB2_10:
0x11e: {  	s0 =	sshllo.u32 s23, $0x1;
	s1 =	rddreg [dreg:$0x6];
	s25 =	simm.s32 $0x0  }
0x11f: {  	s17 =	simm.s32 $0x0;
	s7 =	simm.s32 $0x0;
	s6 =	sand.u32 $0x18, s25  }
0x120: {  	[dreg:$0xc] =	wrdreg s0;
	s0 =	sshll.u32 s0, $0xC;
	s18 =	sshll.u32 s6, $0x7  }
0x121: {  	p0 =	seq.s32 s23, $0x0;
	s0 =	sadd.s32 s0, s1;
	s1 =	sor.u32 s7, s18  }
0x122: {  	[tilespmem:s15], [sflag:$0x2] =	stream.linear.gather [hbm4b:s0+s17], $0x8000, $0x38;
	v13 =	vadd.s32 s1, v2;
	[tilespmem:$0x18100] =	vst v63  }
0x123: {  	s3 =	sor.u32 $0x6, s6;
	s0 =	simm.s32 @!p0 $0x3;
	s18 =	sor.u32 $0x80, s1;
	v16 =	vadd.s32 s1, v1  }
0x124: {  	s8 =	sshll.u32 s3, $0x7;
	_ =	swait.ge @!p0 [sflag:s0], $0x4000;
	v14 =	vadd.s32 s18, v2  }
0x125: {  	s21 =	sor.u32 $0x4, s6;
	s16 =	sor.u32 s7, s8;
	v15 =	vadd.s32 s18, v1;
	[sflag:s0] =	ssyncset.done @!p0 $0x0  }
0x126: {  	s9 =	sor.u32 $0x7, s6;
	s11 =	sshll.u32 s21, $0x7;
	v18 =	vadd.s32 s16, v2;
	[sflag:s0] =	ssyncadd.s32 @!p0 $0xFFFFC000  }
0x127: {  	s12 =	sshll.u32 s9, $0x7;
	s26 =	sor.u32 s7, s11;
	v19 =	vadd.s32 s16, v1;
	v13 =	vld.idx.msk [tilespmem:v13+s13+$0x0], $0xffff  }
0x128: {  	s24 =	sor.u32 $0x3, s6;
	s20 =	sor.u32 s7, s12;
	v21 =	vadd.s32 s26, v1;
	v16 =	vld.idx.msk [tilespmem:v16+s13+$0x0], $0xffff  }
0x129: {  	s4 =	sshll.u32 s24, $0x7;
	v22 =	vadd.s32 s20, v1;
	v14 =	vld.idx.msk [tilespmem:v14+s13+$0x0], $0xffff  }
0x12a: {  	s28 =	sor.u32 s7, s4;
	v23 =	vadd.s32 s20, v2;
	v15 =	vld.idx.msk [tilespmem:v15+s13+$0x0], $0xffff  }
0x12b: {  	v24 =	vadd.s32 s28, v2;
	v18 =	vld.idx.msk [tilespmem:v18+s13+$0x0], $0xffff  }
0x12c: {  	v25 =	vadd.s32 s26, v2;
	v19 =	vld.idx.msk [tilespmem:v19+s13+$0x0], $0xffff  }
0x12d: {  	v26 =	vadd.s32 s28, v1;
	v21 =	vld.idx.msk [tilespmem:v21+s13+$0x0], $0xffff  }
0x12e: {  	s2 =	sor.u32 $0x2, s6;
	v22 =	vld.idx.msk [tilespmem:v22+s13+$0x0], $0xffff  }
0x12f: {  	s19 =	sor.u32 $0x5, s6;
	s5 =	sshll.u32 s2, $0x7;
	v23 =	vld.idx.msk [tilespmem:v23+s13+$0x0], $0xffff  }
0x130: {  	s22 =	sshll.u32 s19, $0x7;
	s29 =	sor.u32 s7, s5;
	v24 =	vld.idx.msk [tilespmem:v24+s13+$0x0], $0xffff  }
0x131: {  	s10 =	sor.u32 s7, s22;
	v17 =	vadd.s32 s29, v1;
	v25 =	vld.idx.msk [tilespmem:v25+s13+$0x0], $0xffff  }
0x132: {  	v20 =	vadd.s32 s10, v1;
	v26 =	vld.idx.msk [tilespmem:v26+s13+$0x0], $0xffff  }
0x133: {  	v29 =	vadd.s32 s1, v3;
	v27 =	vadd.s32 s10, v2;
	v16 =	vsub.f32 v16, v13  }
0x134: {  	v31 =	vadd.s32 s1, v4;
	v28 =	vadd.s32 s29, v2;
	v15 =	vsub.f32 v15, v14  }
0x135: {  	v30 =	vadd.s32 s18, v4;
	v19 =	vsub.f32 v19, v18;
	v16 =	vmul.f32 v16, v9  }
0x136: {  	s4 =	simm.s32 $0x0;
	v17 =	vld.idx.msk [tilespmem:v17+s13+$0x0], $0xffff;
	v22 =	vsub.f32 v22, v23;
	v21 =	vsub.f32 v21, v25;
	v15 =	vmul.f32 v15, v9  }
0x137: {  	s6 =	sshll.u32 s6, $0x9;
	s12 =	sand.u32 $0x3000, s4;
	v20 =	vld.idx.msk [tilespmem:v20+s13+$0x0], $0xffff;
	v26 =	vsub.f32 v26, v24;
	v19 =	vmul.f32 v19, v9;
	v13 =	vadd.f32 v16, v13  }
0x138: {  	s6 =	sadd.s32 $0x0, s6;
	s9 =	sshll.u32 s9, $0x9;
	s7 =	sadd.s32 $0x0, s12;
	v22 =	vmul.f32 v22, v9;
	v16 =	vadd.s32 s18, v3;
	v14 =	vadd.f32 v15, v14;
	v15 =	vld.idx.msk [tilespmem:v27+s13+$0x0], $0xffff  }
0x139: {  	s3 =	sshll.u32 s3, $0x9;
	s17 =	sand.u32 $0x3C00, s9;
	s30 =	sadd.s32 $0x10100, s7;
	v21 =	vmul.f32 v21, v9;
	v27 =	vadd.s32 s16, v4;
	v18 =	vadd.f32 v19, v18;
	[tilespmem:s6+$0x10100] =	vst v13;
	v13 =	vld.idx.msk [tilespmem:v28+s13+$0x0], $0xffff  }
0x13a: {  	s14 =	sadd.s32 $0x0, s3;
	s8 =	sshll.u32 s24, $0x9;
	s3 =	sadd.s32 $0x0, s17;
	v22 =	vadd.f32 v22, v23;
	v23 =	vmul.f32 v26, v9;
	v26 =	vadd.s32 s28, v4;
	v28 =	vld.idx.msk [tilespmem:v29+s13+$0x0], $0xffff;
	[tilespmem:s30+$0x40] =	vst v14  }
0x13b: {  	s8 =	sand.u32 $0x3400, s8;
	s3 =	sadd.s32 $0x10100, s3;
	s0 =	sshll.u32 s21, $0x9;
	v21 =	vadd.f32 v21, v25;
	v14 =	vadd.s32 s16, v3;
	[tilespmem:s14+$0x10100] =	vst v18;
	v19 =	vld.idx.msk [tilespmem:v30+s13+$0x0], $0xffff  }
0x13c: {  	s8 =	sadd.s32 $0x0, s8;
	s21 =	sadd.s32 $0x0, s0;
	v29 =	vadd.s32 s20, v4;
	[tilespmem:s3+$0x40] =	vst v22;
	v22 =	vadd.f32 v23, v24;
	v30 =	vld.idx.msk [tilespmem:v31+s13+$0x0], $0xffff  }
0x13d: {  	s31 =	sadd.s32 $0x10100, s8;
	v18 =	vadd.s32 s20, v3;
	[tilespmem:s21+$0x10100] =	vst v21;
	v16 =	vld.idx.msk [tilespmem:v16+s13+$0x0], $0xffff  }
0x13e: {  	v21 =	vadd.s32 s26, v3;
	[tilespmem:s31+$0x40] =	vst v22;
	v20 =	vsub.f32 v20, v15;
	v27 =	vld.idx.msk [tilespmem:v27+s13+$0x0], $0xffff  }
0x13f: {  	v31 =	vadd.s32 s26, v4;
	v22 =	vld.idx.msk [tilespmem:v26+s13+$0x0], $0xffff;
	v17 =	vsub.f32 v17, v13  }
0x140: {  	s5 =	sshll.u32 s19, $0x9;
	v32 =	vadd.s32 s10, v3;
	v14 =	vld.idx.msk [tilespmem:v14+s13+$0x0], $0xffff;
	v20 =	vmul.f32 v20, v9  }
0x141: {  	s19 =	sand.u32 $0x3800, s5;
	v23 =	vadd.s32 s10, v4;
	v24 =	vld.idx.msk [tilespmem:v29+s13+$0x0], $0xffff;
	v17 =	vmul.f32 v17, v9  }
0x142: {  	s22 =	sadd.s32 $0x0, s19;
	v25 =	vadd.s32 s29, v3;
	v18 =	vld.idx.msk [tilespmem:v18+s13+$0x0], $0xffff;
	v15 =	vadd.f32 v20, v15  }
0x143: {  	s0 =	sadd.s32 $0x10100, s22;
	v21 =	vld.idx.msk [tilespmem:v21+s13+$0x0], $0xffff;
	v16 =	vsub.f32 v16, v19;
	v13 =	vadd.f32 v17, v13;
	v17 =	vadd.s32 s29, v4  }
0x144: {  	s2 =	sshll.u32 s2, $0x9;
	v26 =	vadd.s32 s28, v3;
	v20 =	vld.idx.msk [tilespmem:v31+s13+$0x0], $0xffff;
	[tilespmem:s0+$0x40] =	vst v15;
	v15 =	vsub.f32 v28, v30  }
0x145: {  	s24 =	sadd.s32 $0x0, s2;
	v29 =	vadd.s32 s18, v5;
	v16 =	vmul.f32 v16, v10;
	v28 =	vld.idx.msk [tilespmem:v32+s13+$0x0], $0xffff  }
0x146: {  	[tilespmem:s24+$0x10100] =	vst v13;
	v13 =	vld.idx.msk [tilespmem:v23+s13+$0x0], $0xffff;
	v14 =	vsub.f32 v14, v27;
	v23 =	vadd.s32 s1, v5;
	v15 =	vmul.f32 v15, v10  }
0x147: {  	v18 =	vsub.f32 v18, v24;
	v25 =	vld.idx.msk [tilespmem:v25+s13+$0x0], $0xffff;
	v16 =	vadd.f32 v16, v19;
	v19 =	vadd.s32 s18, v6  }
0x148: {  	v14 =	vmul.f32 v14, v10;
	v15 =	vadd.f32 v15, v30;
	v17 =	vld.idx.msk [tilespmem:v17+s13+$0x0], $0xffff;
	v30 =	vadd.s32 s16, v6  }
0x149: {  	s2 =	sadd.s32 $0x10100, s6;
	v18 =	vmul.f32 v18, v10;
	[tilespmem:s30+$0x50] =	vst v16;
	v16 =	vld.idx.msk [tilespmem:v26+s13+$0x0], $0xffff;
	v26 =	vadd.s32 s20, v6  }
0x14a: {  	v14 =	vadd.f32 v14, v27;
	v27 =	vadd.s32 s20, v5;
	[tilespmem:s2+$0x10] =	vst v15;
	v15 =	vld.idx.msk [tilespmem:v29+s13+$0x0], $0xffff  }
0x14b: {  	s12 =	sadd.s32 $0x10100, s14;
	v18 =	vadd.f32 v18, v24;
	v28 =	vsub.f32 v28, v13;
	v29 =	vadd.s32 s16, v5;
	v23 =	vld.idx.msk [tilespmem:v23+s13+$0x0], $0xffff  }
0x14c: {  	[tilespmem:s12+$0x10] =	vst v14;
	v14 =	vadd.s32 s1, v6;
	v24 =	vld.idx.msk [tilespmem:v19+s13+$0x0], $0xffff  }
0x14d: {  	v19 =	vsub.f32 v21, v20;
	[tilespmem:s3+$0x50] =	vst v18;
	v21 =	vmul.f32 v28, v10;
	v28 =	vadd.s32 s10, v6;
	v30 =	vld.idx.msk [tilespmem:v30+s13+$0x0], $0xffff  }
0x14e: {  	v31 =	vadd.s32 s10, v5;
	v18 =	vsub.f32 v25, v17;
	v25 =	vadd.s32 s26, v6;
	v26 =	vld.idx.msk [tilespmem:v26+s13+$0x0], $0xffff  }
0x14f: {  	v16 =	vsub.f32 v16, v22;
	v19 =	vmul.f32 v19, v10;
	v13 =	vadd.f32 v21, v13;
	v21 =	vld.idx.msk [tilespmem:v27+s13+$0x0], $0xffff  }
0x150: {  	v27 =	vadd.s32 s29, v6;
	v18 =	vmul.f32 v18, v10;
	v29 =	vld.idx.msk [tilespmem:v29+s13+$0x0], $0xffff  }
0x151: {  	v19 =	vadd.f32 v19, v20;
	v62 =	vld.idx.msk [tilespmem:v14+s13+$0x0], $0xffff;
	v14 =	vmul.f32 v16, v10;
	v16 =	vadd.s32 s28, v6;
	[tilespmem:s0+$0x50] =	vst v13  }
0x152: {  	s19 =	sadd.s32 $0x10100, s21;
	v15 =	vsub.f32 v15, v24;
	v13 =	vadd.f32 v18, v17;
	v17 =	vadd.s32 s28, v5;
	v28 =	vld.idx.msk [tilespmem:v28+s13+$0x0], $0xffff  }
0x153: {  	s11 =	sadd.s32 $0x10100, s24;
	v18 =	vadd.s32 s29, v5;
	[tilespmem:s19+$0x10] =	vst v19;
	v20 =	vadd.f32 v14, v22;
	v22 =	vld.idx.msk [tilespmem:v31+s13+$0x0], $0xffff  }
0x154: {  	v14 =	vld.idx.msk [tilespmem:v25+s13+$0x0], $0xffff;
	v15 =	vmul.f32 v15, v11;
	[tilespmem:s11+$0x10] =	vst v13;
	v13 =	vadd.s32 s26, v5  }
0x155: {  	v25 =	vadd.s32 s18, v8;
	v21 =	vsub.f32 v21, v26;
	v19 =	vld.idx.msk [tilespmem:v27+s13+$0x0], $0xffff;
	[tilespmem:s31+$0x50] =	vst v20  }
0x156: {  	v27 =	vadd.s32 s18, v7;
	v15 =	vadd.f32 v15, v24;
	v20 =	vld.idx.msk [tilespmem:v16+s13+$0x0], $0xffff  }
0x157: {  	v16 =	vsub.f32 v29, v30;
	v29 =	vadd.s32 s20, v8;
	v24 =	vld.idx.msk [tilespmem:v17+s13+$0x0], $0xffff;
	v17 =	vmul.f32 v21, v11  }
0x158: {  	v31 =	vadd.s32 s20, v7;
	v21 =	vsub.f32 v23, v62;
	v23 =	vld.idx.msk [tilespmem:v18+s13+$0x0], $0xffff;
	[tilespmem:s30+$0x60] =	vst v15;
	v15 =	vadd.s32 s16, v8  }
0x159: {  	v16 =	vmul.f32 v16, v11;
	v33 =	vld.idx.msk [tilespmem:v13+s13+$0x0], $0xffff;
	v13 =	vsub.f32 v22, v28;
	v18 =	vadd.f32 v17, v26  }
0x15a: {  	v34 =	vadd.s32 s1, v8;
	v22 =	vmul.f32 v21, v11;
	v17 =	vld.idx.msk [tilespmem:v25+s13+$0x0], $0xffff  }
0x15b: {  	v16 =	vadd.f32 v16, v30;
	v21 =	vld.idx.msk [tilespmem:v27+s13+$0x0], $0xffff;
	v27 =	vadd.s32 s16, v7;
	v25 =	vmul.f32 v13, v11;
	[tilespmem:s3+$0x60] =	vst v18  }
0x15c: {  	v26 =	vadd.s32 s1, v7;
	v30 =	vadd.f32 v22, v62;
	v18 =	vld.idx.msk [tilespmem:v29+s13+$0x0], $0xffff  }
0x15d: {  	[tilespmem:s12+$0x20] =	vst v16;
	v29 =	vsub.f32 v24, v20;
	v22 =	vld.idx.msk [tilespmem:v31+s13+$0x0], $0xffff;
	v63 =	vadd.f32 v25, v28;
	v25 =	vadd.s32 s10, v7  }
0x15e: {  	v13 =	vadd.s32 s29, v8;
	v24 =	vadd.s32 s10, v8;
	[tilespmem:s2+$0x20] =	vst v30;
	v30 =	vsub.f32 v23, v19;
	v16 =	vld.idx.msk [tilespmem:v15+s13+$0x0], $0xffff  }
0x15f: {  	s1 =	simm.s32 $0x0;
	v23 =	vadd.s32 s28, v8;
	v15 =	vld.idx.msk [tilespmem:v34+s13+$0x0], $0xffff;
	v29 =	vmul.f32 v29, v11;
	v28 =	vsub.f32 v33, v14;
	[tilespmem:s0+$0x60] =	vst v63  }
.LBB2_11:
0x160: {  	s25 =	sadd.s32 $0x8, s25;
	v30 =	vmul.f32 v30, v11;
	v31 =	vadd.s32 s26, v7;
	v27 =	vld.idx.msk [tilespmem:v27+s13+$0x0], $0xffff;
	s1 =	sadd.s32 $0x1000, s1  }
0x161: {  	v21 =	vsub.f32 v21, v17;
	s7 =	sshrl.u32 s25, $0x5;
	s8 =	sand.u32 $0x18, s25;
	p0 =	slt.u32 s25, $0xF8;
	v26 =	vld.idx.msk [tilespmem:v26+s13+$0x0], $0xffff;
	v20 =	vadd.f32 v29, v20;
	v28 =	vmul.f32 v28, v11  }
0x162: {  	v29 =	vadd.s32 s29, v7;
	s6 =	sshll.u32 s7, $0xC;
	s5 =	sshll.u32 s8, $0x7;
	s20 =	sor.u32 $0x2, s8;
	v19 =	vadd.f32 v30, v19;
	v30 =	vadd.s32 s26, v8;
	v25 =	vld.idx.msk [tilespmem:v25+s13+$0x0], $0xffff  }
0x163: {  	s14 =	sor.u32 $0x3, s8;
	v22 =	vsub.f32 v22, v18;
	s10 =	sor.u32 s6, s5;
	s9 =	sshll.u32 s20, $0x7;
	[tilespmem:s31+$0x60] =	vst v20;
	v20 =	vadd.s32 s28, v7;
	v14 =	vadd.f32 v28, v14;
	v24 =	vld.idx.msk [tilespmem:v24+s13+$0x0], $0xffff  }
0x164: {  	s17 =	sor.u32 $0x7, s8;
	v21 =	vmul.f32 v21, v12;
	s5 =	sor.u32 $0x4, s8;
	v28 =	vadd.s32 s10, v2;
	v32 =	vadd.s32 s10, v1;
	s16 =	sor.u32 $0x80, s10;
	[tilespmem:s11+$0x20] =	vst v19;
	v19 =	vld.idx.msk [tilespmem:v23+s13+$0x0], $0xffff  }
0x165: {  	s18 =	sshll.u32 s14, $0x7;
	s22 =	sshll.u32 s17, $0x7;
	s21 =	sshll.u32 s5, $0x7;
	v23 =	vld.idx.msk [tilespmem:v13+s13+$0x0], $0xffff;
	[tilespmem:s19+$0x20] =	vst v14;
	v13 =	vmul.f32 v22, v12  }
0x166: {  	s4 =	sor.u32 $0x6, s8;
	s28 =	sor.u32 s6, s18;
	v17 =	vadd.f32 v21, v17;
	v14 =	vadd.s32 s16, v2;
	s26 =	sor.u32 s6, s21;
	v22 =	vsub.f32 v27, v16;
	v21 =	vld.idx.msk [tilespmem:v31+s13+$0x0], $0xffff  }
0x167: {  	s24 =	sor.u32 $0x5, s8;
	s18 =	sshll.u32 s4, $0x7;
	s22 =	sor.u32 s6, s22;
	v27 =	vadd.s32 s16, v1;
	v26 =	vsub.f32 v26, v15;
	v29 =	vld.idx.msk [tilespmem:v29+s13+$0x0], $0xffff;
	v13 =	vadd.f32 v13, v18  }
0x168: {  	s29 =	sor.u32 s6, s9;
	s9 =	sshll.u32 s24, $0x7;
	s18 =	sor.u32 s6, s18;
	v18 =	vmul.f32 v22, v12;
	[tilespmem:s30+$0x70] =	vst v17;
	v17 =	vld.idx.msk [tilespmem:v20+s13+$0x0], $0xffff  }
0x169: {  	s21 =	sor.u32 s6, s9;
	s6 =	sshll.u32 s4, $0x9;
	s4 =	sshll.u32 s17, $0x9;
	v31 =	vadd.s32 s26, v1;
	v22 =	vadd.s32 s28, v2;
	v20 =	vadd.s32 s29, v1;
	v30 =	vld.idx.msk [tilespmem:v30+s13+$0x0], $0xffff  }
0x16a: {  	s9 =	sshll.u32 s14, $0x9;
	s14 =	sshll.u32 s24, $0x9;
	v33 =	vadd.s32 s18, v2;
	s30 =	sand.u32 $0x3C00, s4;
	v26 =	vmul.f32 v26, v12;
	v16 =	vadd.f32 v18, v16;
	v28 =	vld.idx.msk [tilespmem:v28+s13+$0x0], $0xffff;
	[tilespmem:s3+$0x70] =	vst v13  }
0x16b: {  	v34 =	vadd.s32 s21, v1;
	v35 =	vadd.s32 s18, v1;
	v18 =	vadd.s32 s28, v1;
	s3 =	sand.u32 $0x3800, s14;
	v14 =	vld.idx.msk [tilespmem:v14+s13+$0x0], $0xffff  }
0x16c: {  	v36 =	vadd.s32 s26, v2;
	v13 =	vadd.s32 s29, v8;
	v15 =	vadd.f32 v26, v15;
	v27 =	vld.idx.msk [tilespmem:v27+s13+$0x0], $0xffff  }
0x16d: {  	v29 =	vsub.f32 v29, v23;
	v26 =	vld.idx.msk [tilespmem:v32+s13+$0x0], $0xffff;
	v32 =	vadd.s32 s22, v2;
	[tilespmem:s12+$0x30] =	vst v16  }
0x16e: {  	v16 =	vld.idx.msk [tilespmem:v20+s13+$0x0], $0xffff;
	v20 =	vadd.s32 s22, v1;
	[tilespmem:s2+$0x30] =	vst v15;
	v15 =	vsub.f32 v17, v19  }
0x16f: {  	v25 =	vsub.f32 v25, v24;
	v29 =	vmul.f32 v29, v12;
	v21 =	vsub.f32 v21, v30;
	v17 =	vld.idx.msk [tilespmem:v33+s13+$0x0], $0xffff  }
0x170: {  	v33 =	vld.idx.msk [tilespmem:v35+s13+$0x0], $0xffff;
	v15 =	vmul.f32 v15, v12  }
0x171: {  	v25 =	vmul.f32 v25, v12;
	v23 =	vadd.f32 v29, v23;
	v21 =	vmul.f32 v21, v12;
	v34 =	vld.idx.msk [tilespmem:v34+s13+$0x0], $0xffff  }
0x172: {  	v29 =	vld.idx.msk [tilespmem:v31+s13+$0x0], $0xffff;
	v15 =	vadd.f32 v15, v19  }
0x173: {  	v19 =	vsub.f32 v26, v28;
	v26 =	vadd.s32 s21, v2;
	v20 =	vld.idx.msk [tilespmem:v20+s13+$0x0], $0xffff;
	[tilespmem:s11+$0x30] =	vst v23;
	v23 =	vadd.f32 v25, v24  }
0x174: {  	v24 =	vsub.f32 v27, v14;
	v25 =	vadd.s32 s29, v2;
	v27 =	vld.idx.msk [tilespmem:v32+s13+$0x0], $0xffff;
	[tilespmem:s31+$0x70] =	vst v15;
	v15 =	vadd.f32 v21, v30  }
0x175: {  	v19 =	vmul.f32 v19, v9;
	v21 =	vadd.s32 s10, v3;
	v22 =	vld.idx.msk [tilespmem:v22+s13+$0x0], $0xffff;
	[tilespmem:s0+$0x70] =	vst v23  }
0x176: {  	v23 =	vmul.f32 v24, v9;
	v24 =	vadd.s32 s16, v4;
	v31 =	vsub.f32 v33, v17;
	v30 =	vld.idx.msk [tilespmem:v36+s13+$0x0], $0xffff;
	[tilespmem:s19+$0x30] =	vst v15  }
0x177: {  	s7 =	sshll.u32 s7, $0x7;
	s4 =	sand.u32 $0x3000, s1;
	s0 =	sshll.u32 s8, $0x9;
	v15 =	vadd.f32 v19, v28;
	v19 =	vadd.s32 s16, v3;
	v18 =	vld.idx.msk [tilespmem:v18+s13+$0x0], $0xffff  }
0x178: {  	s2 =	sadd.s32 s7, s0;
	v28 =	vadd.s32 s10, v4;
	s0 =	sadd.s32 s7, s4;
	s4 =	sadd.s32 s7, s30;
	v14 =	vadd.f32 v23, v14;
	v23 =	vld.idx.msk [tilespmem:v26+s13+$0x0], $0xffff;
	v26 =	vmul.f32 v31, v9  }
0x179: {  	s30 =	sadd.s32 $0x10100, s0;
	s0 =	sadd.s32 s7, s3;
	[tilespmem:s2+$0x10100] =	vst v15;
	v15 =	vld.idx.msk [tilespmem:v25+s13+$0x0], $0xffff;
	v25 =	vadd.s32 s18, v4  }
0x17a: {  	v20 =	vsub.f32 v20, v27;
	v21 =	vld.idx.msk [tilespmem:v21+s13+$0x0], $0xffff;
	[tilespmem:s30+$0x40] =	vst v14;
	v14 =	vadd.f32 v26, v17;
	v17 =	vadd.s32 s18, v3  }
0x17b: {  	v24 =	vld.idx.msk [tilespmem:v24+s13+$0x0], $0xffff  }
0x17c: {  	s6 =	sadd.s32 s7, s6;
	v26 =	vsub.f32 v29, v30;
	v20 =	vmul.f32 v20, v9;
	v29 =	vadd.s32 s22, v4;
	v19 =	vld.idx.msk [tilespmem:v19+s13+$0x0], $0xffff  }
0x17d: {  	v31 =	vadd.s32 s26, v4;
	v18 =	vsub.f32 v18, v22;
	v28 =	vld.idx.msk [tilespmem:v28+s13+$0x0], $0xffff;
	[tilespmem:s6+$0x10100] =	vst v14;
	v14 =	vadd.s32 s22, v3  }
0x17e: {  	v26 =	vmul.f32 v26, v9;
	v32 =	vsub.f32 v34, v23;
	v20 =	vadd.f32 v20, v27;
	v25 =	vld.idx.msk [tilespmem:v25+s13+$0x0], $0xffff  }
0x17f: {  	v33 =	vadd.s32 s21, v3;
	s3 =	sadd.s32 $0x10100, s4;
	v27 =	vadd.s32 s28, v4;
	v18 =	vmul.f32 v18, v9;
	v17 =	vld.idx.msk [tilespmem:v17+s13+$0x0], $0xffff  }
0x180: {  	s5 =	sshll.u32 s5, $0x9;
	s4 =	sand.u32 $0x3400, s9;
	v16 =	vsub.f32 v16, v15;
	v26 =	vadd.f32 v26, v30;
	v30 =	vmul.f32 v32, v9;
	[tilespmem:s3+$0x40] =	vst v20  }
0x181: {  	s5 =	sadd.s32 s7, s5;
	s4 =	sadd.s32 s7, s4;
	v18 =	vadd.f32 v18, v22;
	v20 =	vadd.s32 s21, v4;
	v22 =	vld.idx.msk [tilespmem:v29+s13+$0x0], $0xffff  }
0x182: {  	s31 =	sadd.s32 $0x10100, s4;
	v16 =	vmul.f32 v16, v9;
	v29 =	vadd.s32 s29, v3;
	v23 =	vadd.f32 v30, v23;
	[tilespmem:s5+$0x10100] =	vst v26;
	v14 =	vld.idx.msk [tilespmem:v14+s13+$0x0], $0xffff  }
0x183: {  	s0 =	sadd.s32 $0x10100, s0;
	v19 =	vsub.f32 v19, v24;
	v21 =	vsub.f32 v21, v28;
	v26 =	vadd.s32 s26, v3;
	[tilespmem:s31+$0x40] =	vst v18;
	v18 =	vld.idx.msk [tilespmem:v31+s13+$0x0], $0xffff  }
0x184: {  	s4 =	sshll.u32 s20, $0x9;
	v30 =	vadd.s32 s28, v3;
	v15 =	vadd.f32 v16, v15;
	v16 =	vadd.s32 s29, v4;
	v27 =	vld.idx.msk [tilespmem:v27+s13+$0x0], $0xffff;
	[tilespmem:s0+$0x40] =	vst v23  }
0x185: {  	s7 =	sadd.s32 s7, s4;
	v19 =	vmul.f32 v19, v10;
	v21 =	vmul.f32 v21, v10;
	v17 =	vsub.f32 v17, v25;
	v23 =	vld.idx.msk [tilespmem:v33+s13+$0x0], $0xffff  }
0x186: {  	v32 =	vadd.s32 s16, v5;
	v31 =	vadd.s32 s10, v5;
	[tilespmem:s7+$0x10100] =	vst v15;
	v15 =	vld.idx.msk [tilespmem:v20+s13+$0x0], $0xffff  }
0x187: {  	v19 =	vadd.f32 v19, v24;
	v20 =	vadd.f32 v21, v28;
	v17 =	vmul.f32 v17, v10;
	v21 =	vld.idx.msk [tilespmem:v29+s13+$0x0], $0xffff  }
0x188: {  	v24 =	vadd.s32 s16, v6;
	v14 =	vsub.f32 v14, v22;
	v26 =	vld.idx.msk [tilespmem:v26+s13+$0x0], $0xffff  }
0x189: {  	s2 =	sadd.s32 $0x10100, s2;
	v17 =	vadd.f32 v17, v25;
	[tilespmem:s30+$0x50] =	vst v19;
	v16 =	vld.idx.msk [tilespmem:v16+s13+$0x0], $0xffff;
	v19 =	vadd.s32 s18, v6  }
0x18a: {  	s12 =	sadd.s32 $0x10100, s6;
	v25 =	vadd.s32 s22, v6;
	v14 =	vmul.f32 v14, v10;
	[tilespmem:s2+$0x10] =	vst v20;
	v20 =	vld.idx.msk [tilespmem:v30+s13+$0x0], $0xffff  }
0x18b: {  	v28 =	vld.idx.msk [tilespmem:v32+s13+$0x0], $0xffff;
	[tilespmem:s12+$0x10] =	vst v17;
	v17 =	vadd.s32 s22, v5  }
0x18c: {  	v30 =	vadd.s32 s18, v5;
	v23 =	vsub.f32 v23, v15;
	v14 =	vadd.f32 v14, v22;
	v29 =	vld.idx.msk [tilespmem:v31+s13+$0x0], $0xffff  }
0x18d: {  	v22 =	vadd.s32 s10, v6;
	v24 =	vld.idx.msk [tilespmem:v24+s13+$0x0], $0xffff  }
0x18e: {  	v31 =	vadd.s32 s21, v6;
	v26 =	vsub.f32 v26, v18;
	v23 =	vmul.f32 v23, v10;
	v32 =	vld.idx.msk [tilespmem:v19+s13+$0x0], $0xffff;
	[tilespmem:s3+$0x50] =	vst v14  }
0x18f: {  	v14 =	vsub.f32 v21, v16;
	v19 =	vadd.s32 s26, v6;
	v21 =	vadd.s32 s21, v5;
	v25 =	vld.idx.msk [tilespmem:v25+s13+$0x0], $0xffff  }
0x190: {  	v20 =	vsub.f32 v20, v27;
	v26 =	vmul.f32 v26, v10;
	v15 =	vadd.f32 v23, v15;
	v17 =	vld.idx.msk [tilespmem:v17+s13+$0x0], $0xffff  }
0x191: {  	v23 =	vadd.s32 s29, v6;
	v14 =	vmul.f32 v14, v10;
	v30 =	vld.idx.msk [tilespmem:v30+s13+$0x0], $0xffff  }
0x192: {  	v33 =	vadd.s32 s28, v6;
	v20 =	vmul.f32 v20, v10;
	v18 =	vadd.f32 v26, v18;
	v22 =	vld.idx.msk [tilespmem:v22+s13+$0x0], $0xffff;
	[tilespmem:s0+$0x50] =	vst v15  }
0x193: {  	s19 =	sadd.s32 $0x10100, s5;
	v15 =	vsub.f32 v28, v24;
	v14 =	vadd.f32 v14, v16;
	v16 =	vadd.s32 s28, v5;
	v28 =	vld.idx.msk [tilespmem:v31+s13+$0x0], $0xffff  }
0x194: {  	s11 =	sadd.s32 $0x10100, s7;
	v26 =	vadd.s32 s29, v5;
	v20 =	vadd.f32 v20, v27;
	[tilespmem:s19+$0x10] =	vst v18;
	v18 =	vld.idx.msk [tilespmem:v21+s13+$0x0], $0xffff  }
0x195: {  	v15 =	vmul.f32 v15, v11;
	v21 =	vadd.s32 s26, v5;
	[tilespmem:s11+$0x10] =	vst v14;
	v14 =	vld.idx.msk [tilespmem:v19+s13+$0x0], $0xffff  }
0x196: {  	v27 =	vadd.s32 s16, v8;
	v17 =	vsub.f32 v17, v25;
	v19 =	vld.idx.msk [tilespmem:v23+s13+$0x0], $0xffff;
	[tilespmem:s31+$0x50] =	vst v20  }
0x197: {  	v15 =	vadd.f32 v15, v24;
	v23 =	vadd.s32 s16, v7;
	v24 =	vsub.f32 v30, v32;
	v20 =	vld.idx.msk [tilespmem:v33+s13+$0x0], $0xffff  }
0x198: {  	v30 =	vadd.s32 s22, v8;
	v29 =	vsub.f32 v29, v22;
	v17 =	vmul.f32 v17, v11;
	v16 =	vld.idx.msk [tilespmem:v16+s13+$0x0], $0xffff  }
0x199: {  	v31 =	vadd.s32 s18, v8;
	v33 =	vadd.s32 s22, v7;
	v24 =	vmul.f32 v24, v11;
	[tilespmem:s30+$0x60] =	vst v15;
	v15 =	vld.idx.msk [tilespmem:v26+s13+$0x0], $0xffff  }
0x19a: {  	v26 =	vmul.f32 v29, v11;
	v18 =	vsub.f32 v18, v28;
	v25 =	vadd.f32 v17, v25;
	v34 =	vld.idx.msk [tilespmem:v21+s13+$0x0], $0xffff  }
0x19b: {  	v29 =	vadd.s32 s10, v8;
	v24 =	vadd.f32 v24, v32;
	v17 =	vld.idx.msk [tilespmem:v27+s13+$0x0], $0xffff  }
.Ltmp6:
0x19c: {  	v22 =	vadd.f32 v26, v22;
	v27 =	vadd.s32 s18, v7;
	v21 =	vld.idx.msk [tilespmem:v23+s13+$0x0], $0xffff;
	v23 =	vmul.f32 v18, v11;
	[tilespmem:s3+$0x60] =	vst v25;
	(pc) =	sbr.rel @p0 .LBB2_11-.Ltmp6, $4  }
0x19d: {  	v26 =	vadd.s32 s10, v7;
	[tilespmem:s12+$0x20] =	vst v24;
	v18 =	vld.idx.msk [tilespmem:v30+s13+$0x0], $0xffff  }
0x19e: {  	v25 =	vadd.s32 s21, v7;
	v32 =	vsub.f32 v16, v20;
	[tilespmem:s2+$0x20] =	vst v22;
	v35 =	vadd.f32 v23, v28;
	v22 =	vld.idx.msk [tilespmem:v33+s13+$0x0], $0xffff  }
0x19f: {  	v24 =	vadd.s32 s21, v8;
	v30 =	vsub.f32 v15, v19;
	v16 =	vld.idx.msk [tilespmem:v31+s13+$0x0], $0xffff  }
0x1a0: {  	v23 =	vadd.s32 s28, v8;
	v28 =	vsub.f32 v34, v14;
	v15 =	vld.idx.msk [tilespmem:v29+s13+$0x0], $0xffff;
	v29 =	vmul.f32 v32, v11;
	[tilespmem:s0+$0x60] =	vst v35  }
0x1a1: {  	_ =	sdelay $0x3  }
0x1a2: {  	v30 =	vmul.f32 v30, v11;
	v27 =	vld.idx.msk [tilespmem:v27+s13+$0x0], $0xffff  }
0x1a3: {  	v26 =	vld.idx.msk [tilespmem:v26+s13+$0x0], $0xffff;
	v20 =	vadd.f32 v29, v20;
	v29 =	vadd.s32 s29, v7  }
0x1a4: {  	v25 =	vld.idx.msk [tilespmem:v25+s13+$0x0], $0xffff;
	v19 =	vadd.f32 v30, v19;
	v30 =	vadd.s32 s28, v7  }
0x1a5: {  	v31 =	vadd.s32 s26, v7;
	v28 =	vmul.f32 v28, v11;
	[tilespmem:s31+$0x60] =	vst v20;
	v20 =	vld.idx.msk [tilespmem:v24+s13+$0x0], $0xffff  }
0x1a6: {  	v24 =	vadd.s32 s26, v8;
	[tilespmem:s11+$0x20] =	vst v19;
	v19 =	vld.idx.msk [tilespmem:v23+s13+$0x0], $0xffff  }
0x1a7: {  	v14 =	vadd.f32 v28, v14;
	v13 =	vld.idx.msk [tilespmem:v13+s13+$0x0], $0xffff  }
0x1a8: {  	v23 =	vld.idx.msk [tilespmem:v29+s13+$0x0], $0xffff  }
0x1a9: {  	v21 =	vsub.f32 v21, v17;
	[tilespmem:s19+$0x20] =	vst v14;
	v14 =	vld.idx.msk [tilespmem:v30+s13+$0x0], $0xffff  }
0x1aa: {  	v22 =	vsub.f32 v22, v18;
	v28 =	vld.idx.msk [tilespmem:v31+s13+$0x0], $0xffff  }
0x1ab: {  	v21 =	vmul.f32 v21, v12;
	v27 =	vsub.f32 v27, v16;
	v24 =	vld.idx.msk [tilespmem:v24+s13+$0x0], $0xffff  }
0x1ac: {  	v22 =	vmul.f32 v22, v12;
	v26 =	vsub.f32 v26, v15  }
0x1ad: {  	v17 =	vadd.f32 v21, v17;
	v21 =	vmul.f32 v27, v12;
	v23 =	vsub.f32 v23, v13  }
0x1ae: {  	v18 =	vadd.f32 v22, v18;
	v22 =	vmul.f32 v26, v12;
	v14 =	vsub.f32 v14, v19  }
0x1af: {  	[tilespmem:s30+$0x70] =	vst v17;
	v16 =	vadd.f32 v21, v16;
	v21 =	vsub.f32 v25, v20;
	v17 =	vmul.f32 v23, v12  }
0x1b0: {  	[tilespmem:s3+$0x70] =	vst v18;
	v15 =	vadd.f32 v22, v15;
	v18 =	vsub.f32 v28, v24;
	v14 =	vmul.f32 v14, v12  }
0x1b1: {  	[tilespmem:s12+$0x30] =	vst v16;
	v16 =	vmul.f32 v21, v12;
	v13 =	vadd.f32 v17, v13  }
0x1b2: {  	[tilespmem:s2+$0x30] =	vst v15;
	v15 =	vmul.f32 v18, v12;
	v14 =	vadd.f32 v14, v19  }
0x1b3: {  	s14 =	simm.s32 $0x10100;
	p0 =	seq.s32 s23, $0xF;
	[tilespmem:s11+$0x30] =	vst v13;
	v13 =	vadd.f32 v16, v20  }
0x1b4: {  	s16 =	simm.s32 $0x2;
	s25 =	simm.s32 $0x0;
	p1 =	seq.s32 @!p0 s23, $0x0;
	[tilespmem:s31+$0x70] =	vst v14;
	v14 =	vadd.f32 v15, v24  }
0x1b5: {  	s5 =	simm.s32 $0x0;
	s4 =	sand.u32 $0x18, s25;
	p1 =	por p0, !p1;
	[tilespmem:s0+$0x70] =	vst v13  }
0x1b6: {  	s17 =	sshll.u32 s4, $0x7;
	s7 =	sor.u32 $0x7, s4;
	s22 =	sor.u32 $0x3, s4;
	[tilespmem:s19+$0x30] =	vst v14  }
0x1b7: {  	s10 =	sor.u32 s5, s17;
	s11 =	sshll.u32 s23, $0xC;
	s1 =	rddreg [dreg:$0x7]  }
0x1b8: {  	s9 =	sshll.u32 s7, $0x7;
	s12 =	simm.s32 $0x0;
	s0 =	sadd.s32 s11, s1  }
0x1b9: {  	[hbm4b:s0+s12] =	stream.linear.scatter [tilespmem:s14], [sflag:$0x3], $0x4000, $0x38;
	[tilespmem:$0x18100] =	vst v63  }
0x1ba: {  	s20 =	sor.u32 $0x80, s10;
	s2 =	simm.s32 @!p0 $0x100;
	_ =	swait.ge [sflag:s16], $0x8000  }
0x1bb: {  	s0 =	sshll.u32 @!p0 s23, $0xD;
	[sflag:s16] =	ssyncset.done $0x0;
	s1 =	rddreg [dreg:$0x8]  }
0x1bc: {  	[sflag:s16] =	ssyncadd.s32 $0xFFFF8000;
	s0 =	sadd.s32 @!p0 s0, s1;
	s1 =	simm.s32 @!p0 $0x0  }
0x1bd: {  	v13 =	vadd.s32 s10, v2;
	[tilespmem:s2], [sflag:$0x1] =	stream.linear.gather @!p0 [hbm4b:s0+s1], $0x8000, $0x38;
	[tilespmem:$0x18100] =	vst v63  }
0x1be: {  	s24 =	sshll.u32 s22, $0x7;
	s3 =	sor.u32 $0x5, s4;
	v14 =	vadd.s32 s20, v2;
	s0 =	simm.s32 @p1 $0x4  }
0x1bf: {  	s28 =	sor.u32 s5, s24;
	s21 =	sshll.u32 s3, $0x7;
	v15 =	vadd.s32 s20, v1;
	_ =	swait.ge @p1 [sflag:s0], $0x4000  }
0x1c0: {  	v16 =	vadd.s32 s10, v1;
	s19 =	sor.u32 $0x6, s4;
	s16 =	sor.u32 s5, s21;
	[sflag:s0] =	ssyncset.done @p1 $0x0  }
0x1c1: {  	v24 =	vadd.s32 s28, v2;
	s21 =	sor.u32 s5, s9;
	s2 =	sor.u32 $0x2, s4;
	[sflag:s0] =	ssyncadd.s32 @p1 $0xFFFFC000  }
0x1c2: {  	s6 =	sshll.u32 s19, $0x7;
	v22 =	vadd.s32 s21, v1;
	s18 =	sshll.u32 s2, $0x7;
	v13 =	vld.idx.msk [tilespmem:v13+s15+$0x0], $0xffff  }
0x1c3: {  	v23 =	vadd.s32 s21, v2;
	s29 =	sor.u32 s5, s18;
	s18 =	sor.u32 s5, s6;
	v14 =	vld.idx.msk [tilespmem:v14+s15+$0x0], $0xffff  }
0x1c4: {  	v18 =	vadd.s32 s18, v2;
	v15 =	vld.idx.msk [tilespmem:v15+s15+$0x0], $0xffff  }
0x1c5: {  	v19 =	vadd.s32 s18, v1;
	v16 =	vld.idx.msk [tilespmem:v16+s15+$0x0], $0xffff  }
0x1c6: {  	v26 =	vadd.s32 s28, v1;
	s0 =	sor.u32 $0x4, s4;
	v24 =	vld.idx.msk [tilespmem:v24+s15+$0x0], $0xffff  }
0x1c7: {  	v20 =	vadd.s32 s16, v1;
	s8 =	sshll.u32 s0, $0x7;
	v22 =	vld.idx.msk [tilespmem:v22+s15+$0x0], $0xffff  }
0x1c8: {  	v17 =	vadd.s32 s29, v1;
	s26 =	sor.u32 s5, s8;
	v23 =	vld.idx.msk [tilespmem:v23+s15+$0x0], $0xffff  }
0x1c9: {  	v21 =	vadd.s32 s26, v1;
	v18 =	vld.idx.msk [tilespmem:v18+s15+$0x0], $0xffff  }
0x1ca: {  	v25 =	vadd.s32 s26, v2;
	v19 =	vld.idx.msk [tilespmem:v19+s15+$0x0], $0xffff  }
0x1cb: {  	v27 =	vadd.s32 s16, v2;
	v26 =	vld.idx.msk [tilespmem:v26+s15+$0x0], $0xffff;
	v16 =	vsub.f32 v16, v13  }
0x1cc: {  	v28 =	vadd.s32 s29, v2;
	v20 =	vld.idx.msk [tilespmem:v20+s15+$0x0], $0xffff;
	v15 =	vsub.f32 v15, v14  }
0x1cd: {  	v29 =	vadd.s32 s10, v3;
	v17 =	vld.idx.msk [tilespmem:v17+s15+$0x0], $0xffff;
	v16 =	vmul.f32 v16, v9  }
0x1ce: {  	s30 =	simm.s32 $0x0;
	v30 =	vadd.s32 s20, v4;
	v22 =	vsub.f32 v22, v23;
	v21 =	vld.idx.msk [tilespmem:v21+s15+$0x0], $0xffff;
	v15 =	vmul.f32 v15, v9  }
0x1cf: {  	v31 =	vadd.s32 s10, v4;
	s4 =	sshll.u32 s4, $0x9;
	s5 =	sand.u32 $0x3000, s30;
	v25 =	vld.idx.msk [tilespmem:v25+s15+$0x0], $0xffff;
	v19 =	vsub.f32 v19, v18;
	v13 =	vadd.f32 v16, v13  }
0x1d0: {  	s12 =	sshll.u32 s7, $0x9;
	s9 =	sadd.s32 $0x0, s4;
	s11 =	sadd.s32 $0x0, s5;
	v22 =	vmul.f32 v22, v9;
	v16 =	vadd.s32 s20, v3;
	v14 =	vadd.f32 v15, v14;
	v15 =	vld.idx.msk [tilespmem:v27+s15+$0x0], $0xffff  }
0x1d1: {  	s17 =	sand.u32 $0x3C00, s12;
	s1 =	sshll.u32 s19, $0x9;
	s31 =	sadd.s32 $0x14100, s11;
	v26 =	vsub.f32 v26, v24;
	v27 =	vadd.s32 s18, v4;
	v19 =	vmul.f32 v19, v9;
	[tilespmem:s9+$0x14100] =	vst v13;
	v13 =	vld.idx.msk [tilespmem:v28+s15+$0x0], $0xffff  }
0x1d2: {  	s14 =	sadd.s32 $0x0, s1;
	s1 =	sadd.s32 $0x0, s17;
	v22 =	vadd.f32 v22, v23;
	[tilespmem:s31+$0x40] =	vst v14;
	v14 =	vadd.s32 s18, v3;
	v28 =	vld.idx.msk [tilespmem:v29+s15+$0x0], $0xffff  }
0x1d3: {  	s19 =	sshll.u32 s22, $0x9;
	s1 =	sadd.s32 $0x14100, s1;
	v23 =	vmul.f32 v26, v9;
	v26 =	vadd.s32 s28, v4;
	v18 =	vadd.f32 v19, v18;
	v19 =	vld.idx.msk [tilespmem:v30+s15+$0x0], $0xffff  }
0x1d4: {  	s4 =	sand.u32 $0x3400, s19;
	v21 =	vsub.f32 v21, v25;
	v29 =	vadd.s32 s21, v4;
	[tilespmem:s1+$0x40] =	vst v22;
	v30 =	vld.idx.msk [tilespmem:v31+s15+$0x0], $0xffff  }
0x1d5: {  	s0 =	sshll.u32 s0, $0x9;
	s4 =	sadd.s32 $0x0, s4;
	v22 =	vadd.f32 v23, v24;
	v16 =	vld.idx.msk [tilespmem:v16+s15+$0x0], $0xffff;
	v20 =	vsub.f32 v20, v15;
	[tilespmem:s14+$0x14100] =	vst v18;
	v18 =	vadd.s32 s21, v3  }
0x1d6: {  	s22 =	sadd.s32 $0x0, s0;
	s0 =	sadd.s32 $0x14100, s4;
	v31 =	vadd.s32 s26, v4;
	v21 =	vmul.f32 v21, v9;
	v27 =	vld.idx.msk [tilespmem:v27+s15+$0x0], $0xffff  }
0x1d7: {  	s3 =	sshll.u32 s3, $0x9;
	v32 =	vadd.s32 s16, v3;
	[tilespmem:s0+$0x40] =	vst v22;
	v14 =	vld.idx.msk [tilespmem:v14+s15+$0x0], $0xffff;
	v17 =	vsub.f32 v17, v13;
	v20 =	vmul.f32 v20, v9  }
0x1d8: {  	s3 =	sand.u32 $0x3800, s3;
	v23 =	vadd.s32 s16, v4;
	v22 =	vld.idx.msk [tilespmem:v26+s15+$0x0], $0xffff;
	v21 =	vadd.f32 v21, v25  }
0x1d9: {  	s3 =	sadd.s32 $0x0, s3;
	v25 =	vadd.s32 s29, v3;
	v24 =	vld.idx.msk [tilespmem:v29+s15+$0x0], $0xffff;
	v17 =	vmul.f32 v17, v9;
	v15 =	vadd.f32 v20, v15  }
0x1da: {  	s3 =	sadd.s32 $0x14100, s3;
	[tilespmem:s22+$0x14100] =	vst v21;
	v21 =	vadd.s32 s26, v3;
	v16 =	vsub.f32 v16, v19;
	v18 =	vld.idx.msk [tilespmem:v18+s15+$0x0], $0xffff  }
0x1db: {  	s2 =	sshll.u32 s2, $0x9;
	v26 =	vadd.s32 s28, v3;
	v20 =	vld.idx.msk [tilespmem:v31+s15+$0x0], $0xffff;
	v13 =	vadd.f32 v17, v13;
	[tilespmem:s3+$0x40] =	vst v15;
	v15 =	vsub.f32 v28, v30  }
0x1dc: {  	s24 =	sadd.s32 $0x0, s2;
	v17 =	vadd.s32 s29, v4;
	v28 =	vld.idx.msk [tilespmem:v32+s15+$0x0], $0xffff;
	v16 =	vmul.f32 v16, v10;
	v14 =	vsub.f32 v14, v27  }
0x1dd: {  	v29 =	vadd.s32 s20, v5;
	[tilespmem:s24+$0x14100] =	vst v13;
	v13 =	vld.idx.msk [tilespmem:v23+s15+$0x0], $0xffff;
	v15 =	vmul.f32 v15, v10  }
0x1de: {  	v23 =	vadd.s32 s10, v5;
	v25 =	vld.idx.msk [tilespmem:v25+s15+$0x0], $0xffff;
	v16 =	vadd.f32 v16, v19;
	v14 =	vmul.f32 v14, v10  }
0x1df: {  	v19 =	vadd.s32 s20, v6;
	v21 =	vld.idx.msk [tilespmem:v21+s15+$0x0], $0xffff;
	v15 =	vadd.f32 v15, v30;
	v18 =	vsub.f32 v18, v24  }
0x1e0: {  	s2 =	sadd.s32 $0x14100, s9;
	v30 =	vadd.s32 s18, v6;
	[tilespmem:s31+$0x50] =	vst v16;
	v16 =	vld.idx.msk [tilespmem:v26+s15+$0x0], $0xffff;
	v14 =	vadd.f32 v14, v27  }
0x1e1: {  	s12 =	sadd.s32 $0x14100, s14;
	v17 =	vld.idx.msk [tilespmem:v17+s15+$0x0], $0xffff;
	v26 =	vadd.s32 s21, v6;
	[tilespmem:s2+$0x10] =	vst v15;
	v18 =	vmul.f32 v18, v10  }
0x1e2: {  	v15 =	vld.idx.msk [tilespmem:v29+s15+$0x0], $0xffff;
	[tilespmem:s12+$0x10] =	vst v14;
	v14 =	vadd.s32 s10, v6  }
0x1e3: {  	v27 =	vadd.s32 s21, v5;
	v23 =	vld.idx.msk [tilespmem:v23+s15+$0x0], $0xffff;
	v28 =	vsub.f32 v28, v13;
	v18 =	vadd.f32 v18, v24  }
0x1e4: {  	v29 =	vadd.s32 s18, v5;
	v24 =	vld.idx.msk [tilespmem:v19+s15+$0x0], $0xffff;
	v19 =	vsub.f32 v21, v20  }
0x1e5: {  	v21 =	vmul.f32 v28, v10;
	v28 =	vadd.s32 s16, v6;
	v30 =	vld.idx.msk [tilespmem:v30+s15+$0x0], $0xffff;
	v16 =	vsub.f32 v16, v22;
	[tilespmem:s1+$0x50] =	vst v18  }
0x1e6: {  	v31 =	vadd.s32 s16, v5;
	v18 =	vsub.f32 v25, v17;
	v19 =	vmul.f32 v19, v10;
	v26 =	vld.idx.msk [tilespmem:v26+s15+$0x0], $0xffff  }
0x1e7: {  	v25 =	vadd.s32 s26, v6;
	v13 =	vadd.f32 v21, v13;
	v62 =	vld.idx.msk [tilespmem:v14+s15+$0x0], $0xffff;
	v14 =	vmul.f32 v16, v10  }
0x1e8: {  	v21 =	vld.idx.msk [tilespmem:v27+s15+$0x0], $0xffff;
	v16 =	vadd.s32 s28, v6;
	v18 =	vmul.f32 v18, v10;
	v19 =	vadd.f32 v19, v20  }
0x1e9: {  	s19 =	sadd.s32 $0x14100, s22;
	v29 =	vld.idx.msk [tilespmem:v29+s15+$0x0], $0xffff;
	v27 =	vadd.s32 s29, v6;
	[tilespmem:s3+$0x50] =	vst v13;
	v20 =	vadd.f32 v14, v22  }
0x1ea: {  	v28 =	vld.idx.msk [tilespmem:v28+s15+$0x0], $0xffff;
	v13 =	vadd.f32 v18, v17;
	v17 =	vadd.s32 s28, v5;
	[tilespmem:s19+$0x10] =	vst v19  }
0x1eb: {  	s11 =	sadd.s32 $0x14100, s24;
	v15 =	vsub.f32 v15, v24;
	v22 =	vld.idx.msk [tilespmem:v31+s15+$0x0], $0xffff;
	v18 =	vadd.s32 s29, v5;
	[tilespmem:s0+$0x50] =	vst v20  }
0x1ec: {  	v14 =	vld.idx.msk [tilespmem:v25+s15+$0x0], $0xffff;
	[tilespmem:s11+$0x10] =	vst v13;
	v13 =	vadd.s32 s26, v5  }
0x1ed: {  	v15 =	vmul.f32 v15, v11;
	v25 =	vadd.s32 s20, v8;
	v21 =	vsub.f32 v21, v26;
	v20 =	vld.idx.msk [tilespmem:v16+s15+$0x0], $0xffff  }
0x1ee: {  	v16 =	vsub.f32 v29, v30;
	v19 =	vld.idx.msk [tilespmem:v27+s15+$0x0], $0xffff;
	v27 =	vadd.s32 s20, v7  }
0x1ef: {  	v29 =	vadd.s32 s21, v8;
	v15 =	vadd.f32 v15, v24;
	v24 =	vld.idx.msk [tilespmem:v17+s15+$0x0], $0xffff;
	v17 =	vmul.f32 v21, v11  }
0x1f0: {  	v31 =	vadd.s32 s21, v7;
	v16 =	vmul.f32 v16, v11;
	v21 =	vsub.f32 v23, v62;
	v23 =	vld.idx.msk [tilespmem:v18+s15+$0x0], $0xffff  }
0x1f1: {  	[tilespmem:s31+$0x60] =	vst v15;
	v15 =	vadd.s32 s18, v8;
	v33 =	vld.idx.msk [tilespmem:v13+s15+$0x0], $0xffff;
	v13 =	vsub.f32 v22, v28;
	v18 =	vadd.f32 v17, v26  }
0x1f2: {  	v34 =	vadd.s32 s10, v8;
	v22 =	vmul.f32 v21, v11;
	v17 =	vld.idx.msk [tilespmem:v25+s15+$0x0], $0xffff  }
0x1f3: {  	v16 =	vadd.f32 v16, v30;
	v21 =	vld.idx.msk [tilespmem:v27+s15+$0x0], $0xffff;
	v27 =	vadd.s32 s18, v7;
	v25 =	vmul.f32 v13, v11;
	[tilespmem:s1+$0x60] =	vst v18  }
0x1f4: {  	v26 =	vadd.s32 s10, v7;
	v30 =	vadd.f32 v22, v62;
	v18 =	vld.idx.msk [tilespmem:v29+s15+$0x0], $0xffff  }
0x1f5: {  	[tilespmem:s12+$0x20] =	vst v16;
	v29 =	vsub.f32 v24, v20;
	v22 =	vld.idx.msk [tilespmem:v31+s15+$0x0], $0xffff;
	v63 =	vadd.f32 v25, v28;
	v25 =	vadd.s32 s16, v7  }
0x1f6: {  	v13 =	vadd.s32 s29, v8;
	v24 =	vadd.s32 s16, v8;
	v16 =	vld.idx.msk [tilespmem:v15+s15+$0x0], $0xffff;
	[tilespmem:s2+$0x20] =	vst v30;
	v30 =	vsub.f32 v23, v19  }
0x1f7: {  	v23 =	vadd.s32 s28, v8;
	v15 =	vld.idx.msk [tilespmem:v34+s15+$0x0], $0xffff;
	v29 =	vmul.f32 v29, v11;
	v28 =	vsub.f32 v33, v14;
	[tilespmem:s3+$0x60] =	vst v63  }
.LBB2_13:
0x1f8: {  	s25 =	sadd.s32 $0x8, s25;
	v30 =	vmul.f32 v30, v11;
	v31 =	vadd.s32 s26, v7;
	v27 =	vld.idx.msk [tilespmem:v27+s15+$0x0], $0xffff;
	s30 =	sadd.s32 $0x1000, s30  }
0x1f9: {  	v21 =	vsub.f32 v21, v17;
	s7 =	sshrl.u32 s25, $0x5;
	s8 =	sand.u32 $0x18, s25;
	p1 =	slt.u32 s25, $0xF8;
	v26 =	vld.idx.msk [tilespmem:v26+s15+$0x0], $0xffff;
	v20 =	vadd.f32 v29, v20;
	v28 =	vmul.f32 v28, v11  }
0x1fa: {  	v29 =	vadd.s32 s29, v7;
	s4 =	sshll.u32 s7, $0xC;
	s5 =	sshll.u32 s8, $0x7;
	s20 =	sor.u32 $0x2, s8;
	v19 =	vadd.f32 v30, v19;
	v30 =	vadd.s32 s26, v8;
	v25 =	vld.idx.msk [tilespmem:v25+s15+$0x0], $0xffff  }
0x1fb: {  	s9 =	sor.u32 $0x3, s8;
	v22 =	vsub.f32 v22, v18;
	s10 =	sor.u32 s4, s5;
	s6 =	sshll.u32 s20, $0x7;
	[tilespmem:s0+$0x60] =	vst v20;
	v20 =	vadd.s32 s28, v7;
	v14 =	vadd.f32 v28, v14;
	v24 =	vld.idx.msk [tilespmem:v24+s15+$0x0], $0xffff  }
0x1fc: {  	s14 =	sor.u32 $0x7, s8;
	v21 =	vmul.f32 v21, v12;
	s5 =	sor.u32 $0x4, s8;
	v28 =	vadd.s32 s10, v2;
	v32 =	vadd.s32 s10, v1;
	s16 =	sor.u32 $0x80, s10;
	[tilespmem:s11+$0x20] =	vst v19;
	v19 =	vld.idx.msk [tilespmem:v23+s15+$0x0], $0xffff  }
0x1fd: {  	s17 =	sshll.u32 s9, $0x7;
	s21 =	sshll.u32 s14, $0x7;
	s18 =	sshll.u32 s5, $0x7;
	v23 =	vld.idx.msk [tilespmem:v13+s15+$0x0], $0xffff;
	[tilespmem:s19+$0x20] =	vst v14;
	v13 =	vmul.f32 v22, v12  }
0x1fe: {  	s28 =	sor.u32 s4, s17;
	s17 =	sor.u32 $0x6, s8;
	v17 =	vadd.f32 v21, v17;
	v14 =	vadd.s32 s16, v2;
	s26 =	sor.u32 s4, s18;
	v22 =	vsub.f32 v27, v16;
	v21 =	vld.idx.msk [tilespmem:v31+s15+$0x0], $0xffff  }
0x1ff: {  	s24 =	sor.u32 $0x5, s8;
	s22 =	sor.u32 s4, s21;
	v27 =	vadd.s32 s16, v1;
	s18 =	sshll.u32 s17, $0x7;
	v26 =	vsub.f32 v26, v15;
	v29 =	vld.idx.msk [tilespmem:v29+s15+$0x0], $0xffff;
	v13 =	vadd.f32 v13, v18  }
0x200: {  	s29 =	sor.u32 s4, s6;
	s6 =	sshll.u32 s24, $0x7;
	s18 =	sor.u32 s4, s18;
	v18 =	vmul.f32 v22, v12;
	[tilespmem:s31+$0x70] =	vst v17;
	v17 =	vld.idx.msk [tilespmem:v20+s15+$0x0], $0xffff  }
0x201: {  	s21 =	sor.u32 s4, s6;
	s6 =	sshll.u32 s17, $0x9;
	v31 =	vadd.s32 s26, v1;
	s4 =	sshll.u32 s14, $0x9;
	v22 =	vadd.s32 s28, v2;
	v20 =	vadd.s32 s29, v1;
	v30 =	vld.idx.msk [tilespmem:v30+s15+$0x0], $0xffff  }
0x202: {  	s9 =	sshll.u32 s9, $0x9;
	s14 =	sshll.u32 s24, $0x9;
	v33 =	vadd.s32 s18, v2;
	s31 =	sand.u32 $0x3C00, s4;
	v26 =	vmul.f32 v26, v12;
	v16 =	vadd.f32 v18, v16;
	v28 =	vld.idx.msk [tilespmem:v28+s15+$0x0], $0xffff;
	[tilespmem:s1+$0x70] =	vst v13  }
0x203: {  	v34 =	vadd.s32 s21, v1;
	v35 =	vadd.s32 s18, v1;
	v18 =	vadd.s32 s28, v1;
	s1 =	sand.u32 $0x3800, s14;
	v14 =	vld.idx.msk [tilespmem:v14+s15+$0x0], $0xffff  }
0x204: {  	v36 =	vadd.s32 s26, v2;
	v13 =	vadd.s32 s29, v8;
	v15 =	vadd.f32 v26, v15;
	v27 =	vld.idx.msk [tilespmem:v27+s15+$0x0], $0xffff  }
0x205: {  	v29 =	vsub.f32 v29, v23;
	v26 =	vld.idx.msk [tilespmem:v32+s15+$0x0], $0xffff;
	v32 =	vadd.s32 s22, v2;
	[tilespmem:s12+$0x30] =	vst v16  }
0x206: {  	v16 =	vld.idx.msk [tilespmem:v20+s15+$0x0], $0xffff;
	v20 =	vadd.s32 s22, v1;
	[tilespmem:s2+$0x30] =	vst v15;
	v15 =	vsub.f32 v17, v19  }
0x207: {  	v25 =	vsub.f32 v25, v24;
	v29 =	vmul.f32 v29, v12;
	v21 =	vsub.f32 v21, v30;
	v17 =	vld.idx.msk [tilespmem:v33+s15+$0x0], $0xffff  }
0x208: {  	v33 =	vld.idx.msk [tilespmem:v35+s15+$0x0], $0xffff;
	v15 =	vmul.f32 v15, v12  }
0x209: {  	v25 =	vmul.f32 v25, v12;
	v23 =	vadd.f32 v29, v23;
	v21 =	vmul.f32 v21, v12;
	v34 =	vld.idx.msk [tilespmem:v34+s15+$0x0], $0xffff  }
0x20a: {  	v29 =	vld.idx.msk [tilespmem:v31+s15+$0x0], $0xffff;
	v15 =	vadd.f32 v15, v19  }
0x20b: {  	v19 =	vsub.f32 v26, v28;
	v26 =	vadd.s32 s21, v2;
	v20 =	vld.idx.msk [tilespmem:v20+s15+$0x0], $0xffff;
	[tilespmem:s11+$0x30] =	vst v23;
	v23 =	vadd.f32 v25, v24  }
0x20c: {  	v24 =	vsub.f32 v27, v14;
	v25 =	vadd.s32 s29, v2;
	v27 =	vld.idx.msk [tilespmem:v32+s15+$0x0], $0xffff;
	[tilespmem:s0+$0x70] =	vst v15;
	v15 =	vadd.f32 v21, v30  }
0x20d: {  	v19 =	vmul.f32 v19, v9;
	v21 =	vadd.s32 s10, v3;
	v22 =	vld.idx.msk [tilespmem:v22+s15+$0x0], $0xffff;
	[tilespmem:s3+$0x70] =	vst v23  }
0x20e: {  	v23 =	vmul.f32 v24, v9;
	v24 =	vadd.s32 s16, v4;
	v31 =	vsub.f32 v33, v17;
	v30 =	vld.idx.msk [tilespmem:v36+s15+$0x0], $0xffff;
	[tilespmem:s19+$0x30] =	vst v15  }
0x20f: {  	s7 =	sshll.u32 s7, $0x7;
	s0 =	sshll.u32 s8, $0x9;
	s3 =	sand.u32 $0x3000, s30;
	v15 =	vadd.f32 v19, v28;
	v19 =	vadd.s32 s16, v3;
	v18 =	vld.idx.msk [tilespmem:v18+s15+$0x0], $0xffff  }
0x210: {  	s2 =	sadd.s32 s7, s0;
	v28 =	vadd.s32 s10, v4;
	s0 =	sadd.s32 s7, s3;
	s3 =	sadd.s32 s7, s31;
	v14 =	vadd.f32 v23, v14;
	v23 =	vld.idx.msk [tilespmem:v26+s15+$0x0], $0xffff;
	v26 =	vmul.f32 v31, v9  }
0x211: {  	s4 =	sadd.s32 s7, s1;
	s31 =	sadd.s32 $0x14100, s0;
	[tilespmem:s2+$0x14100] =	vst v15;
	v15 =	vld.idx.msk [tilespmem:v25+s15+$0x0], $0xffff;
	v25 =	vadd.s32 s18, v4  }
0x212: {  	v20 =	vsub.f32 v20, v27;
	v21 =	vld.idx.msk [tilespmem:v21+s15+$0x0], $0xffff;
	[tilespmem:s31+$0x40] =	vst v14;
	v14 =	vadd.f32 v26, v17;
	v17 =	vadd.s32 s18, v3  }
0x213: {  	v24 =	vld.idx.msk [tilespmem:v24+s15+$0x0], $0xffff  }
0x214: {  	s6 =	sadd.s32 s7, s6;
	v26 =	vsub.f32 v29, v30;
	v20 =	vmul.f32 v20, v9;
	v29 =	vadd.s32 s22, v4;
	v19 =	vld.idx.msk [tilespmem:v19+s15+$0x0], $0xffff  }
0x215: {  	v31 =	vadd.s32 s26, v4;
	v18 =	vsub.f32 v18, v22;
	v28 =	vld.idx.msk [tilespmem:v28+s15+$0x0], $0xffff;
	[tilespmem:s6+$0x14100] =	vst v14;
	v14 =	vadd.s32 s22, v3  }
0x216: {  	v26 =	vmul.f32 v26, v9;
	v32 =	vsub.f32 v34, v23;
	v20 =	vadd.f32 v20, v27;
	v25 =	vld.idx.msk [tilespmem:v25+s15+$0x0], $0xffff  }
0x217: {  	v33 =	vadd.s32 s21, v3;
	s1 =	sadd.s32 $0x14100, s3;
	v27 =	vadd.s32 s28, v4;
	v18 =	vmul.f32 v18, v9;
	v17 =	vld.idx.msk [tilespmem:v17+s15+$0x0], $0xffff  }
0x218: {  	s0 =	sand.u32 $0x3400, s9;
	s3 =	sshll.u32 s5, $0x9;
	v16 =	vsub.f32 v16, v15;
	v26 =	vadd.f32 v26, v30;
	v30 =	vmul.f32 v32, v9;
	[tilespmem:s1+$0x40] =	vst v20  }
0x219: {  	s0 =	sadd.s32 s7, s0;
	s5 =	sadd.s32 s7, s3;
	v18 =	vadd.f32 v18, v22;
	v20 =	vadd.s32 s21, v4;
	v22 =	vld.idx.msk [tilespmem:v29+s15+$0x0], $0xffff  }
0x21a: {  	s0 =	sadd.s32 $0x14100, s0;
	v16 =	vmul.f32 v16, v9;
	v29 =	vadd.s32 s29, v3;
	v23 =	vadd.f32 v30, v23;
	[tilespmem:s5+$0x14100] =	vst v26;
	v14 =	vld.idx.msk [tilespmem:v14+s15+$0x0], $0xffff  }
0x21b: {  	s3 =	sadd.s32 $0x14100, s4;
	v19 =	vsub.f32 v19, v24;
	v21 =	vsub.f32 v21, v28;
	v26 =	vadd.s32 s26, v3;
	[tilespmem:s0+$0x40] =	vst v18;
	v18 =	vld.idx.msk [tilespmem:v31+s15+$0x0], $0xffff  }
0x21c: {  	s4 =	sshll.u32 s20, $0x9;
	v30 =	vadd.s32 s28, v3;
	v15 =	vadd.f32 v16, v15;
	v16 =	vadd.s32 s29, v4;
	v27 =	vld.idx.msk [tilespmem:v27+s15+$0x0], $0xffff;
	[tilespmem:s3+$0x40] =	vst v23  }
0x21d: {  	s7 =	sadd.s32 s7, s4;
	v19 =	vmul.f32 v19, v10;
	v21 =	vmul.f32 v21, v10;
	v17 =	vsub.f32 v17, v25;
	v23 =	vld.idx.msk [tilespmem:v33+s15+$0x0], $0xffff  }
0x21e: {  	v32 =	vadd.s32 s16, v5;
	v31 =	vadd.s32 s10, v5;
	[tilespmem:s7+$0x14100] =	vst v15;
	v15 =	vld.idx.msk [tilespmem:v20+s15+$0x0], $0xffff  }
0x21f: {  	v19 =	vadd.f32 v19, v24;
	v20 =	vadd.f32 v21, v28;
	v17 =	vmul.f32 v17, v10;
	v21 =	vld.idx.msk [tilespmem:v29+s15+$0x0], $0xffff  }
0x220: {  	v24 =	vadd.s32 s16, v6;
	v14 =	vsub.f32 v14, v22;
	v26 =	vld.idx.msk [tilespmem:v26+s15+$0x0], $0xffff  }
0x221: {  	s2 =	sadd.s32 $0x14100, s2;
	v17 =	vadd.f32 v17, v25;
	[tilespmem:s31+$0x50] =	vst v19;
	v16 =	vld.idx.msk [tilespmem:v16+s15+$0x0], $0xffff;
	v19 =	vadd.s32 s18, v6  }
0x222: {  	s12 =	sadd.s32 $0x14100, s6;
	v25 =	vadd.s32 s22, v6;
	v14 =	vmul.f32 v14, v10;
	[tilespmem:s2+$0x10] =	vst v20;
	v20 =	vld.idx.msk [tilespmem:v30+s15+$0x0], $0xffff  }
0x223: {  	v28 =	vld.idx.msk [tilespmem:v32+s15+$0x0], $0xffff;
	[tilespmem:s12+$0x10] =	vst v17;
	v17 =	vadd.s32 s22, v5  }
0x224: {  	v30 =	vadd.s32 s18, v5;
	v23 =	vsub.f32 v23, v15;
	v14 =	vadd.f32 v14, v22;
	v29 =	vld.idx.msk [tilespmem:v31+s15+$0x0], $0xffff  }
0x225: {  	v22 =	vadd.s32 s10, v6;
	v24 =	vld.idx.msk [tilespmem:v24+s15+$0x0], $0xffff  }
0x226: {  	v31 =	vadd.s32 s21, v6;
	v26 =	vsub.f32 v26, v18;
	v23 =	vmul.f32 v23, v10;
	v32 =	vld.idx.msk [tilespmem:v19+s15+$0x0], $0xffff;
	[tilespmem:s1+$0x50] =	vst v14  }
0x227: {  	v14 =	vsub.f32 v21, v16;
	v19 =	vadd.s32 s26, v6;
	v21 =	vadd.s32 s21, v5;
	v25 =	vld.idx.msk [tilespmem:v25+s15+$0x0], $0xffff  }
0x228: {  	v20 =	vsub.f32 v20, v27;
	v26 =	vmul.f32 v26, v10;
	v15 =	vadd.f32 v23, v15;
	v17 =	vld.idx.msk [tilespmem:v17+s15+$0x0], $0xffff  }
0x229: {  	v23 =	vadd.s32 s29, v6;
	v14 =	vmul.f32 v14, v10;
	v30 =	vld.idx.msk [tilespmem:v30+s15+$0x0], $0xffff  }
0x22a: {  	v33 =	vadd.s32 s28, v6;
	v20 =	vmul.f32 v20, v10;
	v18 =	vadd.f32 v26, v18;
	v22 =	vld.idx.msk [tilespmem:v22+s15+$0x0], $0xffff;
	[tilespmem:s3+$0x50] =	vst v15  }
0x22b: {  	s19 =	sadd.s32 $0x14100, s5;
	v15 =	vsub.f32 v28, v24;
	v14 =	vadd.f32 v14, v16;
	v16 =	vadd.s32 s28, v5;
	v28 =	vld.idx.msk [tilespmem:v31+s15+$0x0], $0xffff  }
0x22c: {  	s11 =	sadd.s32 $0x14100, s7;
	v26 =	vadd.s32 s29, v5;
	v20 =	vadd.f32 v20, v27;
	[tilespmem:s19+$0x10] =	vst v18;
	v18 =	vld.idx.msk [tilespmem:v21+s15+$0x0], $0xffff  }
0x22d: {  	v15 =	vmul.f32 v15, v11;
	v21 =	vadd.s32 s26, v5;
	[tilespmem:s11+$0x10] =	vst v14;
	v14 =	vld.idx.msk [tilespmem:v19+s15+$0x0], $0xffff  }
0x22e: {  	v27 =	vadd.s32 s16, v8;
	v17 =	vsub.f32 v17, v25;
	v19 =	vld.idx.msk [tilespmem:v23+s15+$0x0], $0xffff;
	[tilespmem:s0+$0x50] =	vst v20  }
0x22f: {  	v15 =	vadd.f32 v15, v24;
	v23 =	vadd.s32 s16, v7;
	v24 =	vsub.f32 v30, v32;
	v20 =	vld.idx.msk [tilespmem:v33+s15+$0x0], $0xffff  }
0x230: {  	v30 =	vadd.s32 s22, v8;
	v29 =	vsub.f32 v29, v22;
	v17 =	vmul.f32 v17, v11;
	v16 =	vld.idx.msk [tilespmem:v16+s15+$0x0], $0xffff  }
0x231: {  	v31 =	vadd.s32 s18, v8;
	v33 =	vadd.s32 s22, v7;
	v24 =	vmul.f32 v24, v11;
	[tilespmem:s31+$0x60] =	vst v15;
	v15 =	vld.idx.msk [tilespmem:v26+s15+$0x0], $0xffff  }
0x232: {  	v26 =	vmul.f32 v29, v11;
	v18 =	vsub.f32 v18, v28;
	v25 =	vadd.f32 v17, v25;
	v34 =	vld.idx.msk [tilespmem:v21+s15+$0x0], $0xffff  }
0x233: {  	v29 =	vadd.s32 s10, v8;
	v24 =	vadd.f32 v24, v32;
	v17 =	vld.idx.msk [tilespmem:v27+s15+$0x0], $0xffff  }
.Ltmp7:
0x234: {  	v22 =	vadd.f32 v26, v22;
	v27 =	vadd.s32 s18, v7;
	v21 =	vld.idx.msk [tilespmem:v23+s15+$0x0], $0xffff;
	v23 =	vmul.f32 v18, v11;
	[tilespmem:s1+$0x60] =	vst v25;
	(pc) =	sbr.rel @p1 .LBB2_13-.Ltmp7, $4  }
0x235: {  	v26 =	vadd.s32 s10, v7;
	[tilespmem:s12+$0x20] =	vst v24;
	v18 =	vld.idx.msk [tilespmem:v30+s15+$0x0], $0xffff  }
0x236: {  	v25 =	vadd.s32 s21, v7;
	v32 =	vsub.f32 v16, v20;
	[tilespmem:s2+$0x20] =	vst v22;
	v35 =	vadd.f32 v23, v28;
	v22 =	vld.idx.msk [tilespmem:v33+s15+$0x0], $0xffff  }
0x237: {  	v24 =	vadd.s32 s21, v8;
	v30 =	vsub.f32 v15, v19;
	v16 =	vld.idx.msk [tilespmem:v31+s15+$0x0], $0xffff  }
0x238: {  	v23 =	vadd.s32 s28, v8;
	v28 =	vsub.f32 v34, v14;
	v15 =	vld.idx.msk [tilespmem:v29+s15+$0x0], $0xffff;
	v29 =	vmul.f32 v32, v11;
	[tilespmem:s3+$0x60] =	vst v35  }
0x239: {  	_ =	sdelay $0x2  }
0x23a: {  	v30 =	vmul.f32 v30, v11  }
0x23b: {  	v27 =	vld.idx.msk [tilespmem:v27+s15+$0x0], $0xffff;
	v48 =	vadd.s32 s29, v7;
	v20 =	vadd.f32 v29, v20  }
0x23c: {  	v26 =	vld.idx.msk [tilespmem:v26+s15+$0x0], $0xffff;
	v49 =	vadd.s32 s28, v7;
	v19 =	vadd.f32 v30, v19  }
0x23d: {  	v25 =	vld.idx.msk [tilespmem:v25+s15+$0x0], $0xffff;
	v28 =	vmul.f32 v28, v11;
	[tilespmem:s0+$0x60] =	vst v20  }
0x23e: {  	v31 =	vadd.s32 s26, v7;
	[tilespmem:s11+$0x20] =	vst v19;
	v52 =	vld.idx.msk [tilespmem:v23+s15+$0x0], $0xffff  }
0x23f: {  	v51 =	vadd.s32 s26, v8;
	v14 =	vadd.f32 v28, v14;
	v13 =	vld.idx.msk [tilespmem:v13+s15+$0x0], $0xffff  }
0x240: {  	v53 =	vld.idx.msk [tilespmem:v48+s15+$0x0], $0xffff  }
0x241: {  	v21 =	vsub.f32 v21, v17;
	[tilespmem:s19+$0x20] =	vst v14;
	v14 =	vld.idx.msk [tilespmem:v49+s15+$0x0], $0xffff  }
0x242: {  	v50 =	vld.idx.msk [tilespmem:v24+s15+$0x0], $0xffff;
	v22 =	vsub.f32 v22, v18  }
0x243: {  	v21 =	vmul.f32 v21, v12;
	v27 =	vsub.f32 v27, v16;
	v54 =	vld.idx.msk [tilespmem:v31+s15+$0x0], $0xffff  }
0x244: {  	v22 =	vmul.f32 v22, v12;
	v26 =	vsub.f32 v26, v15;
	v24 =	vld.idx.msk [tilespmem:v51+s15+$0x0], $0xffff  }
0x245: {  	v55 =	vadd.f32 v21, v17;
	v56 =	vmul.f32 v27, v12;
	v23 =	vsub.f32 v53, v13  }
0x246: {  	v57 =	vadd.f32 v22, v18;
	v58 =	vmul.f32 v26, v12;
	v14 =	vsub.f32 v14, v52  }
0x247: {  	[tilespmem:s31+$0x70] =	vst v55;
	v59 =	vadd.f32 v56, v16;
	v60 =	vmul.f32 v23, v12  }
0x248: {  	v61 =	vsub.f32 v25, v50;
	[tilespmem:s1+$0x70] =	vst v57;
	v15 =	vadd.f32 v58, v15;
	v14 =	vmul.f32 v14, v12  }
0x249: {  	v62 =	vsub.f32 v54, v24;
	[tilespmem:s12+$0x30] =	vst v59;
	v13 =	vadd.f32 v60, v13  }
0x24a: {  	v63 =	vmul.f32 v61, v12;
	[tilespmem:s2+$0x30] =	vst v15;
	v14 =	vadd.f32 v14, v52  }
0x24b: {  	v15 =	vmul.f32 v62, v12;
	[tilespmem:s11+$0x30] =	vst v13  }
0x24c: {  	v13 =	vadd.f32 v63, v50;
	[tilespmem:s0+$0x70] =	vst v14  }
0x24d: {  	v14 =	vadd.f32 v15, v24;
	s0 =	rddreg [dreg:$0x9]  }
.Ltmp8:
0x24e: {  	s1 =	rddreg [dreg:$0xc];
	[tilespmem:s3+$0x70] =	vst v13;
	(pc) =	sbr.rel @p0 .LBB2_16-.Ltmp8, $4  }
0x24f: {  	s0 =	sadd.s32 s0, s1;
	[tilespmem:s19+$0x30] =	vst v14  }
0x250: {  	s0 =	sshll.u32 s0, $0xB;
	s29 =	rddreg [dreg:$0x5]  }
0x251: {  	s30 =	simm.s32 $0x0;
	s31 =	simm.s32 $0x14100;
	s0 =	sadd.s32 s29, s0  }
0x252: {  	[hbm4b:s0+s30] =	stream.linear.scatter [tilespmem:s31], [sflag:$0x4], $0x4000, $0x38;
	[tilespmem:$0x18100] =	vst v63  }
.Ltmp9:
0x253: {  	(pc) =	sbr.rel .LBB2_10-.Ltmp9, $4  }
0x254: {  	s0 =	simm.s32 $0x1  }
0x255: {  	_ =	swait.ge [sflag:s0], $0x8000  }
0x256: {  	[sflag:s0] =	ssyncset.done $0x0  }
0x257: {  	s23 =	sadd.s32 $0x1, s23;
	[sflag:s0] =	ssyncadd.s32 $0xFFFF8000  }
.LBB2_17:
0x258: {  	_ =	sfence.sel $0x180000  }
0x259: {  	[bflag:$0x0] =	sbarrier.arrive $0xFFFF  }
0x25a: {  	_ =	strace $0x90000047  }
0x25b: {  	s0 =	stileid.u32;
	[bflag:$0x2] =	sbarrier.arrive $0xFFFF  }
0x25c: {  	p0 =	sne.s32 s0, $0x0;
	s0 =	rddreg [dreg:$0x4]  }
0x25d: {  	s0 =	sadd.s32 @!p0 $0x100000, s0  }
0x25e: {  	[sflag:s0] =	ssyncadd.tile.s32 @!p0 $0x1;
	_ =	shalt  }
.Lfunc_end2:
_tile_overlayer_lowered:
.L_overlay_start_2:
0x25f: {  	(tag) =	ssettag $0x2  }
0x260: {  	s0 =	rddreg [dreg:$0x0];
	s2 =	stileid.u32  }
0x261: {  	s1 =	rddreg [dreg:$0x1];
	p0 =	sne.s32 s2, $0x0  }
0x262: {  	s3 =	rddreg [dreg:$0x2];
	[bflag:$0x3] =	sbarrier.arrive $0xFFFF;
	s2 =	simm.s32 @!p0 $0x1C05  }
0x263: {  	[timem:s3], [sflag:s2] =	dma.local @!p0 [hbm:s0], s1  }
0x264: {  	s0 =	simm.s32 @!p0 $0x5  }
0x265: {  	_ =	swait.ge @!p0 [sflag:s0], s1  }
0x266: {  	s1 =	ssub.s32 @!p0 $0x0, s1;
	[sflag:s0] =	ssyncset.done @!p0 $0x0  }
0x267: {  	[sflag:s0] =	ssyncadd.s32 @!p0 s1  }
0x268: {  	[bflag:$0x3] =	sbarrier.arrive $0xFFFF  }
0x269: {  	_ =	shalt  }

// kernel: sparse-core-data-format-call.cloned.1.call-start
scs
called_computation_lowered:
.L_overlay_start_0:
0x0: {  	s2 =	sld [smem:$0x3FD9]  }
0x1: {  	s3 =	sld [smem:$0x3FFE];
	_ =	sdelay $0x1  }
0x2: {  	s1 =	srdreg.scid  }
0x3: {  	s0 =	sand.u32 $0x1, s1  }
0x4: {  	s18 =	sshll.u32 s0, $0xA;
	s2 =	sadd.s32 s3, s2  }
0x5: {  	s2 =	sadd.s32 s2, s18  }
0x6: {  	[smem:$0x3FC5] =	sst s2  }
0x7: {  	_ = 	snop  }
0x8: {  	s2 =	sld [smem:$0x3FD0];
	(tm) =	ssettm $0x1  }
0x9: {  	s19 =	sld [smem:$0x3FFB];
	_ =	sdelay $0x3  }
0xa: {  	_ =	strace s19  }
0xb: {  	s3 =	sld [smem:$0x3FFC];
	_ =	sdelay $0x3  }
0xc: {  	_ =	strace s3  }
0xd: {  	s3 =	sld [smem:$0x3FFD];
	_ =	sdelay $0x3  }
0xe: {  	_ =	strace s3  }
0xf: {  	_ =	strace $0x8FFFFFFF  }
0x10: {  	s20 =	sld [smem:$0x3FDB];
	_ =	sdelay $0x1  }
0x11: {  	s4 =	simm.s32 $_scs_section_size  }
0x12: {  	s5 =	simm.s32 $_size__tile_overlayer_lowered;
	s6 =	simm.s32 $_tile_overlayer_lowered  }
0x13: {  	s23 =	simm.s32 $0x1BFF;
	s22 =	sshll.u32 s6, $0x1;
	s3 =	sadd.s32 s4, s20  }
0x14: {  	s7 =	simm.s32 $0x0;
	s21 =	sshll.u32 s5, $0x1;
	s5 =	sadd.s32 s22, s3  }
0x15: {  	[timem:s7], [sflag:s23] =	dma.local [hbm:s5], s21  }
0x16: {  	_ =	swait.ge [sflag:s23], s21  }
0x17: {  	s4 =	ssub.s32 $0x0, s21;
	[sflag:s23] =	ssyncset.done $0x0  }
0x18: {  	[sflag:s23] =	ssyncadd.s32 s4;
	_ =	sdelay $0x1  }
0x19: {  	s24 =	simm.s32 $0x1B8B  }
0x1a: {  	_ =	swait.ge [sflag:s24], $0x1  }
0x1b: {  	[sflag:s24] =	ssyncset.done $0x0  }
0x1c: {  	s26 =	simm.s32 $0x1B8E;
	s25 =	sld [smem:$0x3FFE];
	[sflag:s24] =	ssyncadd.s32 $0xFFFFFFFF  }
0x1d: {  	s27 =	simm.s32 $execute0_lowered;
	[smem:$0x3FD2] =	sst s26  }
0x1e: {  	s5 =	sshll.u32 s27, $0x1;
	_ =	strace $0x80000049;
	[dreg:$0x1] =	wrdreg $0xFFFFFFFF  }
0x1f: {  	s28 =	simm.s32 $_size_execute0_lowered;
	s3 =	sadd.s32 s3, s5;
	[dreg:$0x0] =	wrdreg $0x0  }
0x20: {  	s5 =	sshll.u32 s28, $0x1;
	[dreg:$0x2] =	wrdreg s3  }
0x21: {  	[dreg:$0x3] =	wrdreg s5  }
0x22: {  	[dreg:$0x4] =	wrdreg $0xC0  }
0x23: {  	_ =	task [dreg:s7], $0x5FFFF  }
0x24: {  	[dreg:$0x1] =	wrdreg $0xFFFFFFFF  }
0x25: {  	[dreg:$0x0] =	wrdreg $0x60  }
0x26: {  	[dreg:$0x2] =	wrdreg s25  }
0x27: {  	[dreg:$0x3] =	wrdreg s2  }
0x28: {  	[dreg:$0x4] =	wrdreg $0x9  }
0x29: {  	_ =	task.clear_ibuf [dreg:s7], $0x5FFFF;
	_ =	strace $0x90000049  }
0x2a: {  	s29 =	simm.s32 $0x9;
	_ =	strace $0x8000004B  }
0x2b: {  	_ =	swait.ge [sflag:s29], $0x1  }
0x2c: {  	[sflag:s29] =	ssyncadd.s32 $0xFFFFFFFF  }
0x2d: {  	_ =	strace $0x9000004B  }
0x2e: {  	_ =	sfence  }
0x2f: {  	s30 =	sld [smem:$0x0];
	_ =	sdelay $0x2  }
0x30: {  	s31 =	sshll.u32 s1, $0xD;
	s1 =	sshrl.u32 s1, $0x2  }
0x31: {  	s3 =	sand.u32 $0x4000, s31;
	s1 =	sadd.s32 s1, s30  }
0x32: {  	s0 =	sor.u32 s3, s0;
	s1 =	sshll.u32 s1, $0x11  }
0x33: {  	s0 =	sor.u32 s1, s0  }
0x34: {  	s0 =	sadd.s32 $0x8F2B, s0  }
0x35: {  	[sflag:s0] =	ssyncadd.remote.s32 $0x1  }
0x36: {  	_ =	sfence.sel $0xFFFF  }
0x37: {  	[dreg:$0x0] =	wrdreg $0xFFFFFFFF;
	(pc) =	sbr.abs _section_cstart, $3  }
0x38: {  	[dreg:$0x1] =	wrdreg $0xFFFFFFFF  }
0x39: {  	_ =	task.clear_ibuf [dreg:s7], $0x2FFFF;
	_ =	strace $0x9FFFFFFF  }
0x3a: {  	(tm) =	ssettm $0x7FFFFFFF  }
0x3b: {  	_ =	shalt  }
tec
execute0_lowered:
.L_overlay_start_1:
0x0: {  	(tag) =	ssettag $0x1  }
0x1: {  	s4 =	rddreg [dreg:$0x0]  }
0x2: {  	s2 =	rddreg [dreg:$0x1]  }
0x3: {  	s0 =	rddreg [dreg:$0x2];
	_ =	strace $0x8000004A  }
0x4: {  	s3 =	srdreg.scid;
	s1 =	stileid.u32;
	s6 =	simm.s32 $0x2  }
0x5: {  	s12 =	simm.s32 $0x0;
	s13 =	simm.s32 $0x0;
	s14 =	simm.s32 $0x0  }
.Ltmp0:
0x6: {  	s15 =	simm.s32 $0x0;
	s8 =	simm.s32 $0x0;
	(pc) =	sbr.rel .LBB1_1-.Ltmp0, $4  }
0x7: {  	s9 =	simm.s32 $0x0;
	s10 =	simm.s32 $0x0;
	s5 =	sshll.u32 s3, $0x4  }
0x8: {  	s7 =	simm.s32 $0x0;
	s3 =	simm.s32 $0x1;
	s5 =	sand.u32 $0x10, s5  }
0x9: {  	s4 =	sadd.s32 $0x800, s4;
	[sflag:s3] =	ssyncpa.u1 $0x0;
	s5 =	sor.u32 s1, s5  }
0xa: {  	[sflag:s6] =	ssyncpa.u1 $0x0;
	s6 =	simm.s32 $0x10000;
	s11 =	smov.u32 s5  }
.LBB1_7:
0xb: {  	s16 =	sadd.s32 $0x80, s8  }
0xc: {  	s12 =	sadd.s32 $0x2, s9;
	s17 =	smov.u32 s9;
	p1 =	sgt.s32 s16, $0x7FF  }
0xd: {  	s17 =	smov.u32 @p1 s12  }
0xe: {  	s18 =	smov.u32 s10;
	s12 =	sadd.s32 $0x40, s10;
	p2 =	sgt.s32 s17, $0x3  }
0xf: {  	s18 =	smov.u32 @p2 s12  }
0x10: {  	s19 =	smov.u32 s11;
	s12 =	sadd.s32 $0x20, s11;
	p3 =	sgt.s32 s18, $0x3F  }
0x11: {  	p0 =	slt.u32 s7, $0x2;
	s19 =	smov.u32 @p3 s12  }
0x12: {  	s7 =	sadd.s32 $0x1, s7;
	s16 =	simm.s32 @p1 $0x0;
	p1 =	sgt.s32 s19, $0x1F  }
0x13: {  	s20 =	simm.s32 @!p0 $0x2;
	s19 =	smov.u32 @p1 s5;
	p1 =	sne.s32 s7, $0x22  }
.Ltmp1:
0x14: {  	_ =	swait.ge @!p0 [sflag:s20], $0x4000;
	(pc) =	sbr.rel @!p1 .LBB1_8-.Ltmp1, $4  }
0x15: {  	s13 =	smov.u32 s9;
	s14 =	smov.u32 s10;
	[sflag:s20] =	ssyncset.done @!p0 $0x0  }
0x16: {  	s15 =	smov.u32 s11;
	s17 =	simm.s32 @p2 $0x0;
	[sflag:s20] =	ssyncadd.s32 @!p0 $0xFFFFC000  }
0x17: {  	s9 =	smov.u32 s17;
	s18 =	simm.s32 @p3 $0x0;
	s12 =	smov.u32 s8  }
0x18: {  	s8 =	smov.u32 s16;
	s10 =	smov.u32 s18;
	s11 =	smov.u32 s19  }
.LBB1_1:
0x19: {  	p0 =	sgt.u32 s7, $0x1F  }
0x1a: {  	s16 =	sxor.u32 @!p0 $0xFFFFFFFF, s7;
	s17 =	sshll.u32 @!p0 s9, $0x7  }
0x1b: {  	s18 =	sand.u32 @!p0 $0x78, s8;
	s19 =	sshll.u32 @!p0 s8, $0x2;
	s20 =	sshrl.u32 @!p0 s8, $0x1  }
0x1c: {  	s17 =	sand.u32 @!p0 $0x180, s17;
	s16 =	sshll.u32 @!p0 s16, $0xE;
	s19 =	sand.u32 @!p0 $0x600, s19  }
0x1d: {  	s20 =	sand.u32 @!p0 $0x300, s20;
	s17 =	sor.u32 @!p0 s17, s18;
	s18 =	sshll.u32 @!p0 s11, $0x10  }
0x1e: {  	s17 =	sor.u32 @!p0 s19, s17;
	s19 =	sshll.u32 @!p0 s10, $0xA;
	s18 =	sadd.s32 @!p0 s4, s18  }
0x1f: {  	s16 =	sand.u32 @!p0 $0x4000, s16;
	s18 =	sadd.s32 @!p0 s19, s18;
	s19 =	sand.u32 @!p0 $0x7, s8  }
0x20: {  	s17 =	sshrl.u32 @!p0 s17, $0x3;
	s18 =	sadd.s32 @!p0 s20, s18;
	s19 =	sshll.u32 @!p0 s19, $0x12  }
0x21: {  	s17 =	sadd.s32 @!p0 s17, s18;
	s18 =	sor.u32 @!p0 $0x100, s19;
	s19 =	simm.s32 @!p0 $0x2000  }
0x22: {  	[tilespmem:s16], [sflag:$0x1] =	stream.strided.gather @!p0 [hbm4b:s17+s18], $0x4000, s19, s18, $0x38;
	[tilespmem:$0x10000] =	vst v63  }
0x23: {  	p0 =	seq.s32 s7, $0x0  }
0x24: {  	p1 =	seq.s32 @!p0 s7, $0x21  }
0x25: {  	p0 =	por p0, p1  }
.Ltmp2:
0x26: {  	_ = 	snop;
	(pc) =	sbr.rel @p0 .LBB1_7-.Ltmp2, $1  }
0x27: {  	_ =	sdelay $0x3  }
0x28: {  	_ =	swait.ge [sflag:s3], $0x4000;
	s16 =	sshll.u32 s7, $0xE  }
0x29: {  	[sflag:s3] =	ssyncset.done $0x0;
	s17 =	sand.u32 $0x4000, s16  }
0x2a: {  	s18 =	simm.s32 $0x0;
	[sflag:s3] =	ssyncadd.s32 $0xFFFFC000;
	s16 =	sor.u32 $0x8000, s17  }
.LBB1_3:
0x2b: {  	s19 =	sshll.u32 s18, $0x8  }
0x2c: {  	s19 =	sand.u32 $0x3FFFFF00, s19  }
0x2d: {  	s20 =	sshll.u32 s18, $0x7;
	s19 =	sadd.s32 s19, s17  }
0x2e: {  	s20 =	sand.u32 $0x3FFFFF80, s20;
	v0 =	vmov s19  }
0x2f: {  	s20 =	sadd.s32 s20, s16  }
0x30: {  	p0 =	por $0x1, $0x1;
	v1 =	vmov s20;
	s19 =	simm.s32 $0x0  }
.LBB1_4:
0x31: {  	s20 =	sshll.u32 s19, $0x7  }
0x32: {  	s20 =	sand.u32 $0x3FFFFF80, s20  }
0x33: {  	v2 =	vld.idx.msk [tilespmem:v0+s20+$0x0 ss:$0x1], $0xffff  }
0x34: {  	v3 =	vld.idx.msk [tilespmem:v0+s20+$0x10 ss:$0x1], $0xffff  }
0x35: {  	v4 =	vld.idx.msk [tilespmem:v0+s20+$0x20 ss:$0x1], $0xffff  }
0x36: {  	s31 =	sshll.u32 s19, $0xD;
	v5 =	vld.idx.msk [tilespmem:v0+s20+$0x30 ss:$0x1], $0xffff  }
0x37: {  	s19 =	sand.u32 $0x3FFFE000, s31;
	v6 =	vld.idx.msk [tilespmem:v0+s20+$0x40 ss:$0x1], $0xffff  }
0x38: {  	v63 =	vld.idx.msk [tilespmem:v0+s20+$0x70 ss:$0x1], $0xffff;
	[tilespmem:v1+s19+$0x0 ss:$0x1] =	vst.idx.msk $0xffff, v2  }
0x39: {  	v2 =	vld.idx.msk [tilespmem:v0+s20+$0x50 ss:$0x1], $0xffff;
	[tilespmem:v1+s19+$0x10 ss:$0x1] =	vst.idx.msk $0xffff, v3  }
0x3a: {  	p1 =	por p0, p0;
	v3 =	vld.idx.msk [tilespmem:v0+s20+$0x60 ss:$0x1], $0xffff;
	[tilespmem:v1+s19+$0x20 ss:$0x1] =	vst.idx.msk $0xffff, v4  }
.Ltmp3:
0x3b: {  	[tilespmem:v1+s19+$0x30 ss:$0x1] =	vst.idx.msk $0xffff, v5;
	(pc) =	sbr.rel @p1 .LBB1_4-.Ltmp3, $4  }
0x3c: {  	[tilespmem:v1+s19+$0x40 ss:$0x1] =	vst.idx.msk $0xffff, v6  }
0x3d: {  	[tilespmem:v1+s19+$0x70 ss:$0x1] =	vst.idx.msk $0xffff, v63  }
0x3e: {  	[tilespmem:v1+s19+$0x50 ss:$0x1] =	vst.idx.msk $0xffff, v2  }
0x3f: {  	p0 =	por $0x0, $0x0;
	[tilespmem:v1+s19+$0x60 ss:$0x1] =	vst.idx.msk $0xffff, v3;
	s19 =	simm.s32 $0x1  }
0x40: {  	s18 =	sadd.s32 $0x1, s18  }
0x41: {  	p0 =	sne.s32 s18, $0x40  }
.Ltmp4:
0x42: {  	_ = 	snop;
	(pc) =	sbr.rel @p0 .LBB1_3-.Ltmp4, $1  }
0x43: {  	_ =	sdelay $0x3  }
0x44: {  	s17 =	sand.u32 $0x78, s12;
	s18 =	sshll.u32 s15, $0x7;
	s28 =	sshll.u32 s15, $0xB  }
0x45: {  	s19 =	sshll.u32 s12, $0x3;
	s14 =	sshll.u32 s14, $0xD;
	s13 =	sshll.u32 s13, $0x13  }
0x46: {  	s30 =	sand.u32 $0x7, s12;
	s18 =	sand.u32 $0x380, s18;
	s15 =	sand.u32 $0xC000, s28  }
0x47: {  	s29 =	sand.u32 $0x400, s19;
	s14 =	sadd.s32 s2, s14;
	s15 =	sadd.s32 s15, s19  }
.Ltmp5:
0x48: {  	s17 =	sor.u32 s18, s17;
	s15 =	sshrl.u32 s15, $0x3;
	(pc) =	sbr.rel .LBB1_7-.Ltmp5, $4  }
0x49: {  	s13 =	sadd.s32 s13, s14;
	s17 =	sor.u32 s29, s17;
	s15 =	sand.u32 $0x1F00, s15  }
0x4a: {  	s12 =	sshll.u32 s30, $0x12;
	s31 =	sshrl.u32 s17, $0x3;
	s13 =	sadd.s32 s15, s13  }
0x4b: {  	s12 =	sor.u32 $0x80, s12;
	s13 =	sadd.s32 s31, s13  }
0x4c: {  	[hbm4b:s13+s12] =	stream.strided.scatter [tilespmem:s16], [sflag:$0x2], $0x4000, s6, s12, $0x38;
	[tilespmem:$0x10000] =	vst v63  }
.LBB1_8:
0x4d: {  	_ =	sfence.sel $0x180000  }
0x4e: {  	s2 =	simm.s32 $0x1;
	[bflag:$0x0] =	sbarrier.arrive $0xFFFF  }
0x4f: {  	s31 =	simm.s32 $0x2;
	[sflag:s2] =	ssyncpa.u1 $0x1  }
0x50: {  	[sflag:s31] =	ssyncpa.u1 $0x1  }
0x51: {  	p0 =	sne.s32 s1, $0x0;
	_ =	strace $0x9000004A  }
0x52: {  	s0 =	sadd.s32 @!p0 $0x100000, s0;
	[bflag:$0x2] =	sbarrier.arrive $0xFFFF  }
0x53: {  	[sflag:s0] =	ssyncadd.tile.s32 @!p0 $0x1;
	_ =	shalt  }
.Lfunc_end1:
_tile_overlayer_lowered:
.L_overlay_start_2:
0x54: {  	(tag) =	ssettag $0x2  }
0x55: {  	s0 =	rddreg [dreg:$0x0];
	s2 =	stileid.u32  }
0x56: {  	s1 =	rddreg [dreg:$0x1];
	p0 =	sne.s32 s2, $0x0  }
0x57: {  	s3 =	rddreg [dreg:$0x2];
	[bflag:$0x3] =	sbarrier.arrive $0xFFFF;
	s2 =	simm.s32 @!p0 $0x1C01  }
0x58: {  	[timem:s3], [sflag:s2] =	dma.local @!p0 [hbm:s0], s1  }
0x59: {  	s0 =	simm.s32 @!p0 $0x1  }
0x5a: {  	_ =	swait.ge @!p0 [sflag:s0], s1  }
0x5b: {  	s1 =	ssub.s32 @!p0 $0x0, s1;
	[sflag:s0] =	ssyncset.done @!p0 $0x0  }
0x5c: {  	[sflag:s0] =	ssyncadd.s32 @!p0 s1  }
0x5d: {  	[bflag:$0x3] =	sbarrier.arrive $0xFFFF  }
0x5e: {  	_ =	shalt  }

</sc_bundles>
